<compile_context>
chip_gen: v7x
topology: tpu7x:2x2x1
jax: 0.10.2.dev20260603
libtpu: 0.0.44.dev20260713+nightly
codegen_flags: <defaults>
</compile_context>

<pallas_src>
import functools

import jax
import jax.numpy as jnp
from jax import lax
from jax.experimental import pallas as pl
from jax.experimental.pallas import tpu as pltpu
from jax.experimental.pallas import tpu_sc as plsc

N = 10000
E = 320000
H = 128
NC = 2
NS = 16
NW = NC * NS
CHUNK = 128
NROWS = E // CHUNK
ROWS_PER_W = NROWS // NW
EXTRA = NROWS - ROWS_PER_W * NW
GROWS = ROWS_PER_W + 1
NPS = 624
NREM = N - NPS * NS


def _silu(x):
    return x / (1.0 + jnp.exp(-x))



def _linact_body(v_ref, w_ref, b_ref, o_ref):
    x = jnp.dot(v_ref[...], w_ref[...], preferred_element_type=jnp.float32)
    o_ref[...] = _silu(x + b_ref[...])


def _linact(v, W, b, br=1000):
    n = v.shape[0]
    return pl.pallas_call(
        _linact_body,
        grid=(n // br,),
        in_specs=[
            pl.BlockSpec((br, H), lambda bb: (bb, 0)),
            pl.BlockSpec((H, H), lambda bb: (0, 0)),
            pl.BlockSpec((1, H), lambda bb: (0, 0)),
        ],
        out_specs=pl.BlockSpec((br, H), lambda bb: (bb, 0)),
        out_shape=jax.ShapeDtypeStruct((n, H), jnp.float32),
    )(v, W, b.reshape(1, H))


def _edge_body(g_ref, r0_ref, w1_ref, w2_ref, wd_ref, bd_ref, o_ref):
    w1 = w1_ref[...]
    w2 = w2_ref[...]
    nr, be = w1.shape
    wc = w1[:, 0:1] * w2[0:1, :]
    for m in range(1, be):
        wc = wc + w1[:, m:m + 1] * w2[m:m + 1, :]
    r0 = r0_ref[...]
    rbf = r0[:, 0:1] * wc[0:1, :]
    for kk in range(1, nr):
        rbf = rbf + r0[:, kk:kk + 1] * wc[kk:kk + 1, :]
    x = g_ref[...] * rbf
    y = jnp.dot(x, wd_ref[...], preferred_element_type=jnp.float32)
    o_ref[...] = _silu(y + bd_ref[...])


def _edge(g, rbf0, W_rbf1, W_rbf2, W_down, b_down, beg=2000):
    nr = rbf0.shape[1]
    return pl.pallas_call(
        _edge_body,
        grid=(E // beg,),
        in_specs=[
            pl.BlockSpec((beg, H), lambda bb: (bb, 0)),
            pl.BlockSpec((beg, nr), lambda bb: (bb, 0)),
            pl.BlockSpec(W_rbf1.shape, lambda bb: (0, 0)),
            pl.BlockSpec(W_rbf2.shape, lambda bb: (0, 0)),
            pl.BlockSpec((H, H), lambda bb: (0, 0)),
            pl.BlockSpec((1, H), lambda bb: (0, 0)),
        ],
        out_specs=pl.BlockSpec((beg, H), lambda bb: (bb, 0)),
        out_shape=jax.ShapeDtypeStruct((E, H), jnp.float32),
    )(g, rbf0, W_rbf1, W_rbf2, W_down, b_down.reshape(1, H))


def _tail_body(sa_ref, sj_ref, v_ref,
               wgu_ref, bgu_ref, wi_ref, bi_ref, wup_ref, bup_ref,
               wcn_ref, bcn_ref, wln_ref, bln_ref,
               rb1w1_ref, rb1b1_ref, rb1w2_ref, rb1b2_ref,
               ra1w1_ref, ra1b1_ref, ra1w2_ref, ra1b2_ref,
               ra2w1_ref, ra2b1_ref, ra2w2_ref, ra2b2_ref,
               wout_ref, v2_ref, v1_ref):
    def mm(x, w_ref, b_ref):
        return jnp.dot(x, w_ref[...], preferred_element_type=jnp.float32) + b_ref[...]

    def res(x, w1_ref, b1_ref, w2_ref, b2_ref):
        return x + _silu(mm(_silu(mm(x, w1_ref, b1_ref)), w2_ref, b2_ref))

    v_old = v_ref[...]
    v_up = _silu(mm(sa_ref[0] + sa_ref[1], wgu_ref, bgu_ref))
    x_i = _silu(mm(v_old, wi_ref, bi_ref))
    xj = _silu(mm(sj_ref[0] + sj_ref[1], wup_ref, bup_ref))
    v2 = xj + x_i
    v2 = _silu(mm(v2, wcn_ref, bcn_ref)) + v_up
    v2 = res(v2, rb1w1_ref, rb1b1_ref, rb1w2_ref, rb1b2_ref)
    v2 = _silu(mm(v2, wln_ref, bln_ref)) + v_old
    v2 = res(v2, ra1w1_ref, ra1b1_ref, ra1w2_ref, ra1b2_ref)
    v2 = res(v2, ra2w1_ref, ra2b1_ref, ra2w2_ref, ra2b2_ref)
    v2_ref[...] = v2
    v1_ref[...] = jnp.dot(v2, wout_ref[...], preferred_element_type=jnp.float32)


def _tail(segA, segJ, v, W_get_up, b_get_up, W_i, b_i, W_up, b_up,
          W_connect, b_connect, W_lin, b_lin,
          rb1_W1, rb1_b1, rb1_W2, rb1_b2,
          ra1_W1, ra1_b1, ra1_W2, ra1_b2,
          ra2_W1, ra2_b1, ra2_W2, ra2_b2, W_out, br=1000):
    out_dim = W_out.shape[1]
    wspec = pl.BlockSpec((H, H), lambda bb: (0, 0))
    bspec = pl.BlockSpec((1, H), lambda bb: (0, 0))
    seg_spec = pl.BlockSpec((NC, br, H), lambda bb: (0, bb, 0))
    row_spec = pl.BlockSpec((br, H), lambda bb: (bb, 0))
    args = [segA, segJ, v,
            W_get_up, b_get_up, W_i, b_i, W_up, b_up,
            W_connect, b_connect, W_lin, b_lin,
            rb1_W1, rb1_b1, rb1_W2, rb1_b2,
            ra1_W1, ra1_b1, ra1_W2, ra1_b2,
            ra2_W1, ra2_b1, ra2_W2, ra2_b2, W_out]
    args = [a.reshape(1, H) if a.ndim == 1 else a for a in args]
    in_specs = [seg_spec, seg_spec, row_spec]
    for a in args[3:-1]:
        in_specs.append(wspec if a.shape == (H, H) else bspec)
    in_specs.append(pl.BlockSpec((H, out_dim), lambda bb: (0, 0)))
    return pl.pallas_call(
        _tail_body,
        grid=(N // br,),
        in_specs=in_specs,
        out_specs=[row_spec,
                   pl.BlockSpec((br, out_dim), lambda bb: (bb, 0))],
        out_shape=[jax.ShapeDtypeStruct((N, H), jnp.float32),
                   jax.ShapeDtypeStruct((N, out_dim), jnp.float32)],
    )(*args)



_MESH = dict(core_axis_name="c", subcore_axis_name="s")


def _sc_gather(table, j1):

    @functools.partial(
        pl.kernel,
        out_type=jax.ShapeDtypeStruct((E, H), jnp.float32),
        mesh=plsc.VectorSubcoreMesh(**_MESH),
        scratch_types=[
            pltpu.VMEM((GROWS * CHUNK,), jnp.int32),
            pltpu.VMEM((2, CHUNK, H), jnp.float32),
            pltpu.SemaphoreType.DMA,
        ],
    )
    def k(tab_hbm, j_hbm, out_hbm, idx_v, buf, osem):
        w = lax.axis_index("s") * NC + lax.axis_index("c")
        row0 = jnp.minimum(w * GROWS, NROWS - GROWS)
        e0 = pl.multiple_of(row0 * CHUNK, CHUNK)
        pltpu.sync_copy(j_hbm.at[pl.ds(e0, GROWS * CHUNK)], idx_v)

        def body(c, carry):
            slot = c % 2

            @pl.when(c >= 2)
            def _():
                pltpu.make_async_copy(
                    buf.at[0], out_hbm.at[pl.ds(0, CHUNK), :], osem).wait()

            coff = pl.multiple_of(c * CHUNK, CHUNK)
            pltpu.sync_copy(tab_hbm.at[idx_v.at[pl.ds(coff, CHUNK)]],
                            buf.at[slot])
            pltpu.async_copy(
                buf.at[slot],
                out_hbm.at[pl.ds(pl.multiple_of((row0 + c) * CHUNK, CHUNK),
                                 CHUNK), :],
                osem)
            return carry

        lax.fori_loop(0, GROWS, body, 0)
        pltpu.make_async_copy(buf.at[0], out_hbm.at[pl.ds(0, CHUNK), :], osem).wait()
        pltpu.make_async_copy(buf.at[0], out_hbm.at[pl.ds(0, CHUNK), :], osem).wait()

    return k(table, j1)


def _sc_segsum(vals, idx2, zrows):

    @functools.partial(
        pl.kernel,
        out_type=jax.ShapeDtypeStruct((NC, N, H), jnp.float32),
        mesh=plsc.VectorSubcoreMesh(**_MESH),
        scratch_types=[
            pltpu.VMEM((2, CHUNK), jnp.int32),
            pltpu.VMEM((2, CHUNK, H), jnp.float32),
            pltpu.VMEM_SHARED((N, H), jnp.float32),
            pltpu.SemaphoreType.DMA,
        ],
    )
    def k(vals_hbm, idx_hbm, z_hbm, out_hbm, idx_v, buf, shared, isem):
        c_ax = lax.axis_index("c")
        s_ax = lax.axis_index("s")
        w = s_ax * NC + c_ax
        rs = pl.multiple_of(s_ax * NPS, 8)
        pltpu.sync_copy(z_hbm.at[pl.ds(0, NPS), :], shared.at[pl.ds(rs, NPS), :])

        @pl.when(s_ax == 0)
        def _():
            pltpu.sync_copy(z_hbm.at[pl.ds(0, NREM), :],
                            shared.at[pl.ds(NPS * NS, NREM), :])

        plsc.subcore_barrier()

        nch = jnp.where(w < EXTRA, ROWS_PER_W + 1, ROWS_PER_W)
        row0 = jnp.where(w < EXTRA, (ROWS_PER_W + 1) * w, ROWS_PER_W * w + EXTRA)

        def fire(r, slot):
            e0 = pl.multiple_of(r * CHUNK, CHUNK)
            pltpu.async_copy(idx_hbm.at[pl.ds(e0, CHUNK)], idx_v.at[slot], isem)
            pltpu.async_copy(vals_hbm.at[pl.ds(e0, CHUNK), :], buf.at[slot], isem)

        fire(row0, 0)

        def body(c, carry):
            slot = c % 2
            pltpu.make_async_copy(
                idx_hbm.at[pl.ds(0, CHUNK)], idx_v.at[0], isem).wait()
            pltpu.make_async_copy(
                vals_hbm.at[pl.ds(0, CHUNK), :], buf.at[0], isem).wait()

            @pl.when(c + 1 < nch)
            def _():
                fire(row0 + c + 1, (c + 1) % 2)

            pltpu.sync_copy(buf.at[slot], shared.at[idx_v.at[slot]], add=True)
            return carry

        lax.fori_loop(0, nch, body, 0)
        plsc.subcore_barrier()
        pltpu.sync_copy(shared.at[pl.ds(rs, NPS), :],
                        out_hbm.at[c_ax, pl.ds(rs, NPS), :])

        @pl.when(s_ax == 0)
        def _():
            pltpu.sync_copy(shared.at[pl.ds(NPS * NS, NREM), :],
                            out_hbm.at[c_ax, pl.ds(NPS * NS, NREM), :])

    return k(vals, idx2, zrows)



def kernel(v, rbf0, e2, i, j, W_get_up, b_get_up, W_i, b_i, W_j, b_j,
           W_rbf1, W_rbf2, W_down, b_down, W_up, b_up, W_connect, b_connect,
           W_lin, b_lin, rb1_W1, rb1_b1, rb1_W2, rb1_b2,
           ra1_W1, ra1_b1, ra1_W2, ra1_b2, ra2_W1, ra2_b1, ra2_W2, ra2_b2,
           W_out):
    i1 = i.astype(jnp.int32)
    j1 = j.astype(jnp.int32)
    zrows = jnp.zeros((NPS, H), jnp.float32)

    segA = _sc_segsum(e2, i1, zrows)
    x_j = _linact(v, W_j, b_j)
    g = _sc_gather(x_j, j1)
    y = _edge(g, rbf0, W_rbf1, W_rbf2, W_down, b_down)
    segJ = _sc_segsum(y, j1, zrows)
    v2, v1 = _tail(segA, segJ, v, W_get_up, b_get_up, W_i, b_i, W_up, b_up,
                   W_connect, b_connect, W_lin, b_lin,
                   rb1_W1, rb1_b1, rb1_W2, rb1_b2,
                   ra1_W1, ra1_b1, ra1_W2, ra1_b2,
                   ra2_W1, ra2_b1, ra2_W2, ra2_b2, W_out)
    return (v2, v1)

# --- scband reference (transcript-rebuilt; emitter-appended) ---
"""Pipeline reference for scband-update-v-55387898250018 (READ-ONLY COPY).

The authoritative reference and input builder live on the scoring server;
editing this copy changes nothing except your own understanding.
"""

import jax, jax.numpy as jnp
import numpy as np

N = 10000
E = 320000
H = 128
NR = 6
BE = 8
OUT = 128

def _w(k, fin, fout):
    return jax.random.normal(k, (fin, fout), jnp.float32) / np.sqrt(fin)

def setup_inputs(seed: int = 0):
    key = jax.random.key(seed)
    ks = jax.random.split(key, 32)
    inp = {}
    inp['v'] = jax.random.normal(ks[0], (N, H), jnp.float32)
    inp['rbf0'] = jax.random.normal(ks[1], (E, NR), jnp.float32)
    inp['e2'] = jax.random.normal(ks[2], (E, H), jnp.float32)
    inp['i'] = jax.random.randint(ks[3], (E,), 0, N)
    inp['j'] = jax.random.randint(ks[4], (E,), 0, N)
    inp['W_get_up'] = _w(ks[5], H, H); inp['b_get_up'] = jnp.zeros((H,), jnp.float32)
    inp['W_i'] = _w(ks[6], H, H); inp['b_i'] = jnp.zeros((H,), jnp.float32)
    inp['W_j'] = _w(ks[7], H, H); inp['b_j'] = jnp.zeros((H,), jnp.float32)
    inp['W_rbf1'] = _w(ks[8], NR, BE)
    inp['W_rbf2'] = _w(ks[9], BE, H)
    inp['W_down'] = _w(ks[10], H, H); inp['b_down'] = jnp.zeros((H,), jnp.float32)
    inp['W_up'] = _w(ks[11], H, H); inp['b_up'] = jnp.zeros((H,), jnp.float32)
    inp['W_connect'] = _w(ks[12], H, H); inp['b_connect'] = jnp.zeros((H,), jnp.float32)
    inp['W_lin'] = _w(ks[13], H, H); inp['b_lin'] = jnp.zeros((H,), jnp.float32)
    inp['rb1_W1'] = _w(ks[14], H, H); inp['rb1_b1'] = jnp.zeros((H,), jnp.float32)
    inp['rb1_W2'] = _w(ks[15], H, H); inp['rb1_b2'] = jnp.zeros((H,), jnp.float32)
    inp['ra1_W1'] = _w(ks[16], H, H); inp['ra1_b1'] = jnp.zeros((H,), jnp.float32)
    inp['ra1_W2'] = _w(ks[17], H, H); inp['ra1_b2'] = jnp.zeros((H,), jnp.float32)
    inp['ra2_W1'] = _w(ks[18], H, H); inp['ra2_b1'] = jnp.zeros((H,), jnp.float32)
    inp['ra2_W2'] = _w(ks[19], H, H); inp['ra2_b2'] = jnp.zeros((H,), jnp.float32)
    inp['W_out'] = _w(ks[20], H, OUT)
    return inp

def _res(x, W1, b1, W2, b2):
    return x + jax.nn.silu(jax.nn.silu(x @ W1 + b1) @ W2 + b2)

def reference(v, rbf0, e2, i, j, W_get_up, b_get_up, W_i, b_i, W_j, b_j, W_rbf1, W_rbf2, W_down, b_down, W_up, b_up, W_connect, b_connect, W_lin, b_lin, rb1_W1, rb1_b1, rb1_W2, rb1_b2, ra1_W1, ra1_b1, ra1_W2, ra1_b2, ra2_W1, ra2_b1, ra2_W2, ra2_b2, W_out):
    act = jax.nn.silu
    n = v.shape[0]
    v_up = jax.ops.segment_sum(e2, i, num_segments=n)
    v_up = act(v_up @ W_get_up + b_get_up)
    v_old = v
    x_i = act(v_old @ W_i + b_i)
    x_j = act(v_old @ W_j + b_j)
    rbf = (rbf0 @ W_rbf1) @ W_rbf2
    xj = x_j[j] * rbf
    xj = act(xj @ W_down + b_down)
    xj = jax.ops.segment_sum(xj, j, num_segments=n)
    xj = act(xj @ W_up + b_up)
    v2 = xj + x_i
    v2 = act(v2 @ W_connect + b_connect) + v_up
    v2 = _res(v2, rb1_W1, rb1_b1, rb1_W2, rb1_b2)
    v2 = act(v2 @ W_lin + b_lin) + v_old
    v2 = _res(v2, ra1_W1, ra1_b1, ra1_W2, ra1_b2)
    v2 = _res(v2, ra2_W1, ra2_b1, ra2_W2, ra2_b2)
    v1 = v2 @ W_out
    return (v2, v1)

if __name__ == "__main__":
    import jax
    _d = setup_inputs()
    print(jax.jit(kernel)(*tuple(_d.values())))

</pallas_src>

<mosaic_0001>
#map = affine_map<(d0, d1) -> (0, 0)>
#map1 = affine_map<(d0, d1) -> (0)>
module attributes {stable_mosaic.version = 14 : i64} {
  func.func @k(%arg0: i32, %arg1: i32, %arg2: memref<10000x128xf32, #tpu.memory_space<hbm>>, %arg3: memref<320000xi32, #tpu.memory_space<hbm>>, %arg4: memref<320000x128xf32, #tpu.memory_space<hbm>>, %arg5: memref<10112xi32, #tpu.memory_space<vmem>>, %arg6: memref<2x128x128xf32, #tpu.memory_space<vmem>>, %arg7: memref<!tpu.dma_semaphore, #tpu.memory_space<semaphore_mem>>) attributes {dimension_semantics = [#tpu.dimension_semantics<core_parallel>, #tpu.dimension_semantics<subcore_parallel>], iteration_bounds = array<i64: 2, 16>, scalar_prefetch = 0 : i64, scratch_operands = 3 : i64, tpu.core_type = #tpu.core_type<sc_vector_subcore>, window_params = [{transform_indices = #map}, {transform_indices = #map1}, {transform_indices = #map}]} {
    %mul3A = arith.constant 2 : i32
    %mul3A_0 = arith.muli %arg1, %mul3A : i32
    %add3A = arith.addi %mul3A_0, %arg0 : i32
    %mul3A_1 = arith.constant 79 : i32
    %mul3A_2 = arith.muli %add3A, %mul3A_1 : i32
    %min3A = arith.constant 2421 : i32
    %min3A_3 = arith.minsi %mul3A_2, %min3A : i32
    %mul3A_4 = arith.constant 128 : i32
    %mul3A_5 = arith.muli %min3A_3, %mul3A_4 : i32
    %multiple_of3A = tpu.assume_multiple %mul3A_5, 128 : i32
    "tpu.region"() ({
      %run_scoped3A = tpu.sem_alloc : memref<!tpu.dma_semaphore, #tpu.memory_space<semaphore_mem>>
      %dma_start3A = tpu.memref_slice %arg3[%multiple_of3A] : memref<320000xi32, #tpu.memory_space<hbm>> -> memref<10112xi32, #tpu.memory_space<hbm>>
      %dma_start3A_40 = tpu.memref_slice %arg3[%multiple_of3A] : memref<320000xi32, #tpu.memory_space<hbm>> -> memref<10112xi32, #tpu.memory_space<hbm>>
      tpu.enqueue_dma source(%dma_start3A_40 : memref<10112xi32, #tpu.memory_space<hbm>>) target(%arg5 : memref<10112xi32, #tpu.memory_space<vmem>>) target_semaphore(%run_scoped3A : memref<!tpu.dma_semaphore, #tpu.memory_space<semaphore_mem>>)
      %dma_wait3A_41 = tpu.memref_slice %arg3[%multiple_of3A] : memref<320000xi32, #tpu.memory_space<hbm>> -> memref<10112xi32, #tpu.memory_space<hbm>>
      %dma_wait3A_42 = tpu.memref_slice %arg3[%multiple_of3A] : memref<320000xi32, #tpu.memory_space<hbm>> -> memref<10112xi32, #tpu.memory_space<hbm>>
      tpu.wait_dma2 semaphore(%run_scoped3A : memref<!tpu.dma_semaphore, #tpu.memory_space<semaphore_mem>>) src(%dma_wait3A_42 : memref<10112xi32, #tpu.memory_space<hbm>>) dst(%arg5 : memref<10112xi32, #tpu.memory_space<vmem>>)
      tpu.yield
    }) : () -> ()
    %scan3A = arith.constant 0 : i32
    %scan3A_6 = arith.constant 0 : i32
    %scan3A_7 = arith.constant 79 : i32
    %scan3A_8 = arith.addi %scan3A_6, %scan3A_7 : i32
    %scan3A_9 = arith.constant 1 : i32
    scf.for %scan3A_40 = %scan3A_6 to %scan3A_8 step %scan3A_9  : i32 {
      %jit3A = arith.constant 2 : i32
      %eq3A = arith.constant 0 : i32
      %eq3A_41 = arith.cmpi eq, %jit3A, %eq3A : i32
      %jit3A_42 = arith.constant 1 : i32
      %select_n3A = arith.select %eq3A_41, %jit3A_42, %jit3A : i32
      %rem3A = arith.remsi %scan3A_40, %select_n3A : i32
      %ne3A = arith.constant 0 : i32
      %ne3A_43 = arith.cmpi ne, %rem3A, %ne3A : i32
      %lt3A = arith.constant 0 : i32
      %lt3A_44 = arith.cmpi slt, %rem3A, %lt3A : i32
      %lt3A_45 = arith.constant 0 : i32
      %lt3A_46 = arith.cmpi slt, %select_n3A, %lt3A_45 : i32
      %ne3A_47 = arith.xori %lt3A_44, %lt3A_46 : i1
      %and3A = arith.andi %ne3A_47, %ne3A_43 : i1
      %add3A_48 = arith.addi %rem3A, %select_n3A : i32
      %select_n3A_49 = arith.select %and3A, %add3A_48, %rem3A : i32
      %ge3A = arith.constant 2 : i32
      %ge3A_50 = arith.cmpi sge, %scan3A_40, %ge3A : i32
      %convert_element_type3A = arith.extui %ge3A_50 : i1 to i32
      %cond3A = arith.constant 0 : i32
      %cond3A_51 = arith.cmpi ne, %convert_element_type3A, %cond3A : i32
      scf.if %cond3A_51 {
        %dma_wait3A_70 = arith.constant 0 : i32
        %dma_wait3A_71 = arith.constant 0 : i32
        %dma_wait3A_72 = arith.constant 0 : i32
        %dma_wait3A_73 = tpu.memref_slice %arg6[%dma_wait3A_70, %dma_wait3A_71, %dma_wait3A_72] : memref<2x128x128xf32, #tpu.memory_space<vmem>> -> memref<1x128x128xf32, #tpu.memory_space<vmem>>
        %dma_wait3A_74 = tpu.memref_squeeze %dma_wait3A_73 : memref<1x128x128xf32, #tpu.memory_space<vmem>> -> memref<128x128xf32, #tpu.memory_space<vmem>>
        %dma_wait3A_75 = arith.constant 0 : i32
        %dma_wait3A_76 = arith.constant 0 : i32
        %dma_wait3A_77 = tpu.memref_slice %arg4[%dma_wait3A_75, %dma_wait3A_76] : memref<320000x128xf32, #tpu.memory_space<hbm>> -> memref<128x128xf32, #tpu.memory_space<hbm>>
        %dma_wait3A_78 = arith.constant 0 : i32
        %dma_wait3A_79 = arith.constant 0 : i32
        %dma_wait3A_80 = tpu.memref_slice %arg4[%dma_wait3A_78, %dma_wait3A_79] : memref<320000x128xf32, #tpu.memory_space<hbm>> -> memref<128x128xf32, #tpu.memory_space<hbm>>
        %dma_wait3A_81 = arith.constant 0 : i32
        %dma_wait3A_82 = arith.constant 0 : i32
        %dma_wait3A_83 = tpu.memref_slice %arg6[%dma_wait3A_70, %dma_wait3A_81, %dma_wait3A_82] : memref<2x128x128xf32, #tpu.memory_space<vmem>> -> memref<1x128x128xf32, #tpu.memory_space<vmem>>
        %dma_wait3A_84 = tpu.memref_squeeze %dma_wait3A_83 : memref<1x128x128xf32, #tpu.memory_space<vmem>> -> memref<128x128xf32, #tpu.memory_space<vmem>>
        tpu.wait_dma2 semaphore(%arg7 : memref<!tpu.dma_semaphore, #tpu.memory_space<semaphore_mem>>) src(%dma_wait3A_84 : memref<128x128xf32, #tpu.memory_space<vmem>>) dst(%dma_wait3A_80 : memref<128x128xf32, #tpu.memory_space<hbm>>)
      } else {
      }
      %mul3A_52 = arith.constant 128 : i32
      %mul3A_53 = arith.muli %scan3A_40, %mul3A_52 : i32
      %multiple_of3A_54 = tpu.assume_multiple %mul3A_53, 128 : i32
      "tpu.region"() ({
        %run_scoped3A = tpu.sem_alloc : memref<!tpu.dma_semaphore, #tpu.memory_space<semaphore_mem>>
        %dma_start3A_70 = arith.constant 0 : i32
        %dma_start3A_71 = arith.constant 0 : i32
        %dma_start3A_72 = tpu.memref_slice %arg6[%select_n3A_49, %dma_start3A_70, %dma_start3A_71] : memref<2x128x128xf32, #tpu.memory_space<vmem>> -> memref<1x128x128xf32, #tpu.memory_space<vmem>>
        %dma_start3A_73 = tpu.memref_squeeze %dma_start3A_72 : memref<1x128x128xf32, #tpu.memory_space<vmem>> -> memref<128x128xf32, #tpu.memory_space<vmem>>
        %dma_start3A_74 = tpu.memref_slice %arg5[%multiple_of3A_54] : memref<10112xi32, #tpu.memory_space<vmem>> -> memref<128xi32, #tpu.memory_space<vmem>>
        %dma_start3A_75 = arith.constant 0 : i32
        %dma_start3A_76 = arith.constant 0 : i32
        %dma_start3A_77 = tpu.memref_slice %arg2[%dma_start3A_75, %dma_start3A_76] : memref<10000x128xf32, #tpu.memory_space<hbm>> -> memref<10000x128xf32, #tpu.memory_space<hbm>>
        tpu.enqueue_indirect_dma source(%dma_start3A_77 : memref<10000x128xf32, #tpu.memory_space<hbm>>) target(%dma_start3A_73 : memref<128x128xf32, #tpu.memory_space<vmem>>) offsets(%dma_start3A_74 : memref<128xi32, #tpu.memory_space<vmem>>) semaphore(%run_scoped3A : memref<!tpu.dma_semaphore, #tpu.memory_space<semaphore_mem>>)
        %dma_wait3A_78 = arith.constant 0 : i32
        %dma_wait3A_79 = arith.constant 0 : i32
        %dma_wait3A_80 = tpu.memref_slice %arg6[%select_n3A_49, %dma_wait3A_78, %dma_wait3A_79] : memref<2x128x128xf32, #tpu.memory_space<vmem>> -> memref<1x128x128xf32, #tpu.memory_space<vmem>>
        %dma_wait3A_81 = tpu.memref_squeeze %dma_wait3A_80 : memref<1x128x128xf32, #tpu.memory_space<vmem>> -> memref<128x128xf32, #tpu.memory_space<vmem>>
        %dma_wait3A_82 = tpu.memref_slice %arg5[%multiple_of3A_54] : memref<10112xi32, #tpu.memory_space<vmem>> -> memref<128xi32, #tpu.memory_space<vmem>>
        %dma_wait3A_83 = arith.constant 0 : i32
        %dma_wait3A_84 = arith.constant 0 : i32
        %dma_wait3A_85 = tpu.memref_slice %arg2[%dma_wait3A_83, %dma_wait3A_84] : memref<10000x128xf32, #tpu.memory_space<hbm>> -> memref<10000x128xf32, #tpu.memory_space<hbm>>
        tpu.wait_indirect_dma semaphore(%run_scoped3A : memref<!tpu.dma_semaphore, #tpu.memory_space<semaphore_mem>>) src(%dma_wait3A_85 : memref<10000x128xf32, #tpu.memory_space<hbm>>) dst(%dma_wait3A_81 : memref<128x128xf32, #tpu.memory_space<vmem>>)
        tpu.yield
      }) : () -> ()
      %add3A_55 = arith.addi %min3A_3, %scan3A_40 : i32
      %mul3A_56 = arith.constant 128 : i32
      %mul3A_57 = arith.muli %add3A_55, %mul3A_56 : i32
      %multiple_of3A_58 = tpu.assume_multiple %mul3A_57, 128 : i32
      %dma_start3A = arith.constant 0 : i32
      %dma_start3A_59 = arith.constant 0 : i32
      %dma_start3A_60 = tpu.memref_slice %arg6[%select_n3A_49, %dma_start3A, %dma_start3A_59] : memref<2x128x128xf32, #tpu.memory_space<vmem>> -> memref<1x128x128xf32, #tpu.memory_space<vmem>>
      %dma_start3A_61 = tpu.memref_squeeze %dma_start3A_60 : memref<1x128x128xf32, #tpu.memory_space<vmem>> -> memref<128x128xf32, #tpu.memory_space<vmem>>
      %dma_start3A_62 = arith.constant 0 : i32
      %dma_start3A_63 = tpu.memref_slice %arg4[%multiple_of3A_58, %dma_start3A_62] : memref<320000x128xf32, #tpu.memory_space<hbm>> -> memref<128x128xf32, #tpu.memory_space<hbm>>
      %dma_start3A_64 = arith.constant 0 : i32
      %dma_start3A_65 = tpu.memref_slice %arg4[%multiple_of3A_58, %dma_start3A_64] : memref<320000x128xf32, #tpu.memory_space<hbm>> -> memref<128x128xf32, #tpu.memory_space<hbm>>
      %dma_start3A_66 = arith.constant 0 : i32
      %dma_start3A_67 = arith.constant 0 : i32
      %dma_start3A_68 = tpu.memref_slice %arg6[%select_n3A_49, %dma_start3A_66, %dma_start3A_67] : memref<2x128x128xf32, #tpu.memory_space<vmem>> -> memref<1x128x128xf32, #tpu.memory_space<vmem>>
      %dma_start3A_69 = tpu.memref_squeeze %dma_start3A_68 : memref<1x128x128xf32, #tpu.memory_space<vmem>> -> memref<128x128xf32, #tpu.memory_space<vmem>>
      tpu.enqueue_dma source(%dma_start3A_69 : memref<128x128xf32, #tpu.memory_space<vmem>>) target(%dma_start3A_65 : memref<128x128xf32, #tpu.memory_space<hbm>>) target_semaphore(%arg7 : memref<!tpu.dma_semaphore, #tpu.memory_space<semaphore_mem>>)
    }
    %scan3A_10 = arith.constant 79 : i32
    %dma_wait3A = arith.constant 0 : i32
    %dma_wait3A_11 = arith.constant 0 : i32
    %dma_wait3A_12 = arith.constant 0 : i32
    %dma_wait3A_13 = tpu.memref_slice %arg6[%dma_wait3A, %dma_wait3A_11, %dma_wait3A_12] : memref<2x128x128xf32, #tpu.memory_space<vmem>> -> memref<1x128x128xf32, #tpu.memory_space<vmem>>
    %dma_wait3A_14 = tpu.memref_squeeze %dma_wait3A_13 : memref<1x128x128xf32, #tpu.memory_space<vmem>> -> memref<128x128xf32, #tpu.memory_space<vmem>>
    %dma_wait3A_15 = arith.constant 0 : i32
    %dma_wait3A_16 = arith.constant 0 : i32
    %dma_wait3A_17 = tpu.memref_slice %arg4[%dma_wait3A_15, %dma_wait3A_16] : memref<320000x128xf32, #tpu.memory_space<hbm>> -> memref<128x128xf32, #tpu.memory_space<hbm>>
    %dma_wait3A_18 = arith.constant 0 : i32
    %dma_wait3A_19 = arith.constant 0 : i32
    %dma_wait3A_20 = tpu.memref_slice %arg4[%dma_wait3A_18, %dma_wait3A_19] : memref<320000x128xf32, #tpu.memory_space<hbm>> -> memref<128x128xf32, #tpu.memory_space<hbm>>
    %dma_wait3A_21 = arith.constant 0 : i32
    %dma_wait3A_22 = arith.constant 0 : i32
    %dma_wait3A_23 = tpu.memref_slice %arg6[%dma_wait3A, %dma_wait3A_21, %dma_wait3A_22] : memref<2x128x128xf32, #tpu.memory_space<vmem>> -> memref<1x128x128xf32, #tpu.memory_space<vmem>>
    %dma_wait3A_24 = tpu.memref_squeeze %dma_wait3A_23 : memref<1x128x128xf32, #tpu.memory_space<vmem>> -> memref<128x128xf32, #tpu.memory_space<vmem>>
    tpu.wait_dma2 semaphore(%arg7 : memref<!tpu.dma_semaphore, #tpu.memory_space<semaphore_mem>>) src(%dma_wait3A_24 : memref<128x128xf32, #tpu.memory_space<vmem>>) dst(%dma_wait3A_20 : memref<128x128xf32, #tpu.memory_space<hbm>>)
    %dma_wait3A_25 = arith.constant 0 : i32
    %dma_wait3A_26 = arith.constant 0 : i32
    %dma_wait3A_27 = arith.constant 0 : i32
    %dma_wait3A_28 = tpu.memref_slice %arg6[%dma_wait3A_25, %dma_wait3A_26, %dma_wait3A_27] : memref<2x128x128xf32, #tpu.memory_space<vmem>> -> memref<1x128x128xf32, #tpu.memory_space<vmem>>
    %dma_wait3A_29 = tpu.memref_squeeze %dma_wait3A_28 : memref<1x128x128xf32, #tpu.memory_space<vmem>> -> memref<128x128xf32, #tpu.memory_space<vmem>>
    %dma_wait3A_30 = arith.constant 0 : i32
    %dma_wait3A_31 = arith.constant 0 : i32
    %dma_wait3A_32 = tpu.memref_slice %arg4[%dma_wait3A_30, %dma_wait3A_31] : memref<320000x128xf32, #tpu.memory_space<hbm>> -> memref<128x128xf32, #tpu.memory_space<hbm>>
    %dma_wait3A_33 = arith.constant 0 : i32
    %dma_wait3A_34 = arith.constant 0 : i32
    %dma_wait3A_35 = tpu.memref_slice %arg4[%dma_wait3A_33, %dma_wait3A_34] : memref<320000x128xf32, #tpu.memory_space<hbm>> -> memref<128x128xf32, #tpu.memory_space<hbm>>
    %dma_wait3A_36 = arith.constant 0 : i32
    %dma_wait3A_37 = arith.constant 0 : i32
    %dma_wait3A_38 = tpu.memref_slice %arg6[%dma_wait3A_25, %dma_wait3A_36, %dma_wait3A_37] : memref<2x128x128xf32, #tpu.memory_space<vmem>> -> memref<1x128x128xf32, #tpu.memory_space<vmem>>
    %dma_wait3A_39 = tpu.memref_squeeze %dma_wait3A_38 : memref<1x128x128xf32, #tpu.memory_space<vmem>> -> memref<128x128xf32, #tpu.memory_space<vmem>>
    tpu.wait_dma2 semaphore(%arg7 : memref<!tpu.dma_semaphore, #tpu.memory_space<semaphore_mem>>) src(%dma_wait3A_39 : memref<128x128xf32, #tpu.memory_space<vmem>>) dst(%dma_wait3A_35 : memref<128x128xf32, #tpu.memory_space<hbm>>)
    return
  }
}

#map = affine_map<(d0, d1) -> (0, 0)>
#map1 = affine_map<(d0, d1) -> (0)>
#map2 = affine_map<(d0, d1) -> (0, 0, 0)>
module attributes {stable_mosaic.version = 14 : i64} {
  func.func @k(%arg0: i32, %arg1: i32, %arg2: memref<320000x128xf32, #tpu.memory_space<hbm>>, %arg3: memref<320000xi32, #tpu.memory_space<hbm>>, %arg4: memref<624x128xf32, #tpu.memory_space<hbm>>, %arg5: memref<2x10000x128xf32, #tpu.memory_space<hbm>>, %arg6: memref<2x128xi32, #tpu.memory_space<vmem>>, %arg7: memref<2x128x128xf32, #tpu.memory_space<vmem>>, %arg8: memref<10000x128xf32, #tpu.memory_space<vmem_shared>>, %arg9: memref<!tpu.dma_semaphore, #tpu.memory_space<semaphore_mem>>) attributes {dimension_semantics = [#tpu.dimension_semantics<core_parallel>, #tpu.dimension_semantics<subcore_parallel>], iteration_bounds = array<i64: 2, 16>, scalar_prefetch = 0 : i64, scratch_operands = 4 : i64, tpu.core_type = #tpu.core_type<sc_vector_subcore>, window_params = [{transform_indices = #map}, {transform_indices = #map1}, {transform_indices = #map}, {transform_indices = #map2}]} {
    %mul3A = arith.constant 2 : i32
    %mul3A_0 = arith.muli %arg1, %mul3A : i32
    %add3A = arith.addi %mul3A_0, %arg0 : i32
    %mul3A_1 = arith.constant 624 : i32
    %mul3A_2 = arith.muli %arg1, %mul3A_1 : i32
    %multiple_of3A = tpu.assume_multiple %mul3A_2, 8 : i32
    "tpu.region"() ({
      %run_scoped3A = tpu.sem_alloc : memref<!tpu.dma_semaphore, #tpu.memory_space<semaphore_mem>>
      %dma_start3A_55 = arith.constant 0 : i32
      %dma_start3A_56 = tpu.memref_slice %arg8[%multiple_of3A, %dma_start3A_55] : memref<10000x128xf32, #tpu.memory_space<vmem_shared>> -> memref<624x128xf32, #tpu.memory_space<vmem_shared>>
      %dma_start3A_57 = arith.constant 0 : i32
      %dma_start3A_58 = arith.constant 0 : i32
      %dma_start3A_59 = tpu.memref_slice %arg4[%dma_start3A_57, %dma_start3A_58] : memref<624x128xf32, #tpu.memory_space<hbm>> -> memref<624x128xf32, #tpu.memory_space<hbm>>
      tpu.enqueue_dma source(%dma_start3A_59 : memref<624x128xf32, #tpu.memory_space<hbm>>) target(%dma_start3A_56 : memref<624x128xf32, #tpu.memory_space<vmem_shared>>) target_semaphore(%run_scoped3A : memref<!tpu.dma_semaphore, #tpu.memory_space<semaphore_mem>>)
      %dma_wait3A = arith.constant 0 : i32
      %dma_wait3A_60 = tpu.memref_slice %arg8[%multiple_of3A, %dma_wait3A] : memref<10000x128xf32, #tpu.memory_space<vmem_shared>> -> memref<624x128xf32, #tpu.memory_space<vmem_shared>>
      %dma_wait3A_61 = arith.constant 0 : i32
      %dma_wait3A_62 = arith.constant 0 : i32
      %dma_wait3A_63 = tpu.memref_slice %arg4[%dma_wait3A_61, %dma_wait3A_62] : memref<624x128xf32, #tpu.memory_space<hbm>> -> memref<624x128xf32, #tpu.memory_space<hbm>>
      tpu.wait_dma2 semaphore(%run_scoped3A : memref<!tpu.dma_semaphore, #tpu.memory_space<semaphore_mem>>) src(%dma_wait3A_63 : memref<624x128xf32, #tpu.memory_space<hbm>>) dst(%dma_wait3A_60 : memref<624x128xf32, #tpu.memory_space<vmem_shared>>)
      tpu.yield
    }) : () -> ()
    %eq3A = arith.constant 0 : i32
    %eq3A_3 = arith.cmpi eq, %arg1, %eq3A : i32
    %convert_element_type3A = arith.extui %eq3A_3 : i1 to i32
    %cond3A = arith.constant 0 : i32
    %cond3A_4 = arith.cmpi ne, %convert_element_type3A, %cond3A : i32
    scf.if %cond3A_4 {
      "tpu.region"() ({
        %run_scoped3A = tpu.sem_alloc : memref<!tpu.dma_semaphore, #tpu.memory_space<semaphore_mem>>
        %dma_start3A_55 = arith.constant 9984 : i32
        %dma_start3A_56 = arith.constant 0 : i32
        %dma_start3A_57 = tpu.memref_slice %arg8[%dma_start3A_55, %dma_start3A_56] : memref<10000x128xf32, #tpu.memory_space<vmem_shared>> -> memref<16x128xf32, #tpu.memory_space<vmem_shared>>
        %dma_start3A_58 = arith.constant 0 : i32
        %dma_start3A_59 = arith.constant 0 : i32
        %dma_start3A_60 = tpu.memref_slice %arg4[%dma_start3A_58, %dma_start3A_59] : memref<624x128xf32, #tpu.memory_space<hbm>> -> memref<16x128xf32, #tpu.memory_space<hbm>>
        tpu.enqueue_dma source(%dma_start3A_60 : memref<16x128xf32, #tpu.memory_space<hbm>>) target(%dma_start3A_57 : memref<16x128xf32, #tpu.memory_space<vmem_shared>>) target_semaphore(%run_scoped3A : memref<!tpu.dma_semaphore, #tpu.memory_space<semaphore_mem>>)
        %dma_wait3A = arith.constant 9984 : i32
        %dma_wait3A_61 = arith.constant 0 : i32
        %dma_wait3A_62 = tpu.memref_slice %arg8[%dma_wait3A, %dma_wait3A_61] : memref<10000x128xf32, #tpu.memory_space<vmem_shared>> -> memref<16x128xf32, #tpu.memory_space<vmem_shared>>
        %dma_wait3A_63 = arith.constant 0 : i32
        %dma_wait3A_64 = arith.constant 0 : i32
        %dma_wait3A_65 = tpu.memref_slice %arg4[%dma_wait3A_63, %dma_wait3A_64] : memref<624x128xf32, #tpu.memory_space<hbm>> -> memref<16x128xf32, #tpu.memory_space<hbm>>
        tpu.wait_dma2 semaphore(%run_scoped3A : memref<!tpu.dma_semaphore, #tpu.memory_space<semaphore_mem>>) src(%dma_wait3A_65 : memref<16x128xf32, #tpu.memory_space<hbm>>) dst(%dma_wait3A_62 : memref<16x128xf32, #tpu.memory_space<vmem_shared>>)
        tpu.yield
      }) : () -> ()
    } else {
    }
    %barrier3A = arith.constant 0 : index
    tpu.barrier barrier_id(%barrier3A)
    %lt3A = arith.constant 4 : i32
    %lt3A_5 = arith.cmpi slt, %add3A, %lt3A : i32
    %jit3A = arith.constant 79 : i32
    %jit3A_6 = arith.constant 78 : i32
    %select_n3A = arith.select %lt3A_5, %jit3A, %jit3A_6 : i32
    %lt3A_7 = arith.constant 4 : i32
    %lt3A_8 = arith.cmpi slt, %add3A, %lt3A_7 : i32
    %mul3A_9 = arith.constant 79 : i32
    %mul3A_10 = arith.muli %mul3A_9, %add3A : i32
    %mul3A_11 = arith.constant 78 : i32
    %mul3A_12 = arith.muli %mul3A_11, %add3A : i32
    %add3A_13 = arith.constant 4 : i32
    %add3A_14 = arith.addi %mul3A_12, %add3A_13 : i32
    %select_n3A_15 = arith.select %lt3A_8, %mul3A_10, %add3A_14 : i32
    %mul3A_16 = arith.constant 128 : i32
    %mul3A_17 = arith.muli %select_n3A_15, %mul3A_16 : i32
    %multiple_of3A_18 = tpu.assume_multiple %mul3A_17, 128 : i32
    %dma_start3A = arith.constant 0 : i32
    %dma_start3A_19 = arith.constant 0 : i32
    %dma_start3A_20 = tpu.memref_slice %arg6[%dma_start3A, %dma_start3A_19] : memref<2x128xi32, #tpu.memory_space<vmem>> -> memref<1x128xi32, #tpu.memory_space<vmem>>
    %dma_start3A_21 = tpu.memref_squeeze %dma_start3A_20 : memref<1x128xi32, #tpu.memory_space<vmem>> -> memref<128xi32, #tpu.memory_space<vmem>>
    %dma_start3A_22 = tpu.memref_slice %arg3[%multiple_of3A_18] : memref<320000xi32, #tpu.memory_space<hbm>> -> memref<128xi32, #tpu.memory_space<hbm>>
    %dma_start3A_23 = arith.constant 0 : i32
    %dma_start3A_24 = tpu.memref_slice %arg6[%dma_start3A, %dma_start3A_23] : memref<2x128xi32, #tpu.memory_space<vmem>> -> memref<1x128xi32, #tpu.memory_space<vmem>>
    %dma_start3A_25 = tpu.memref_squeeze %dma_start3A_24 : memref<1x128xi32, #tpu.memory_space<vmem>> -> memref<128xi32, #tpu.memory_space<vmem>>
    %dma_start3A_26 = tpu.memref_slice %arg3[%multiple_of3A_18] : memref<320000xi32, #tpu.memory_space<hbm>> -> memref<128xi32, #tpu.memory_space<hbm>>
    tpu.enqueue_dma source(%dma_start3A_26 : memref<128xi32, #tpu.memory_space<hbm>>) target(%dma_start3A_25 : memref<128xi32, #tpu.memory_space<vmem>>) target_semaphore(%arg9 : memref<!tpu.dma_semaphore, #tpu.memory_space<semaphore_mem>>)
    %dma_start3A_27 = arith.constant 0 : i32
    %dma_start3A_28 = arith.constant 0 : i32
    %dma_start3A_29 = arith.constant 0 : i32
    %dma_start3A_30 = tpu.memref_slice %arg7[%dma_start3A_27, %dma_start3A_28, %dma_start3A_29] : memref<2x128x128xf32, #tpu.memory_space<vmem>> -> memref<1x128x128xf32, #tpu.memory_space<vmem>>
    %dma_start3A_31 = tpu.memref_squeeze %dma_start3A_30 : memref<1x128x128xf32, #tpu.memory_space<vmem>> -> memref<128x128xf32, #tpu.memory_space<vmem>>
    %dma_start3A_32 = arith.constant 0 : i32
    %dma_start3A_33 = tpu.memref_slice %arg2[%multiple_of3A_18, %dma_start3A_32] : memref<320000x128xf32, #tpu.memory_space<hbm>> -> memref<128x128xf32, #tpu.memory_space<hbm>>
    %dma_start3A_34 = arith.constant 0 : i32
    %dma_start3A_35 = arith.constant 0 : i32
    %dma_start3A_36 = tpu.memref_slice %arg7[%dma_start3A_27, %dma_start3A_34, %dma_start3A_35] : memref<2x128x128xf32, #tpu.memory_space<vmem>> -> memref<1x128x128xf32, #tpu.memory_space<vmem>>
    %dma_start3A_37 = tpu.memref_squeeze %dma_start3A_36 : memref<1x128x128xf32, #tpu.memory_space<vmem>> -> memref<128x128xf32, #tpu.memory_space<vmem>>
    %dma_start3A_38 = arith.constant 0 : i32
    %dma_start3A_39 = tpu.memref_slice %arg2[%multiple_of3A_18, %dma_start3A_38] : memref<320000x128xf32, #tpu.memory_space<hbm>> -> memref<128x128xf32, #tpu.memory_space<hbm>>
    tpu.enqueue_dma source(%dma_start3A_39 : memref<128x128xf32, #tpu.memory_space<hbm>>) target(%dma_start3A_37 : memref<128x128xf32, #tpu.memory_space<vmem>>) target_semaphore(%arg9 : memref<!tpu.dma_semaphore, #tpu.memory_space<semaphore_mem>>)
    %while3A = arith.constant 0 : i32
    %while3A_40 = arith.constant 0 : i32
    %while3A_41 = arith.subi %select_n3A, %while3A_40 : i32
    %while3A_42 = arith.addi %while3A_40, %while3A_41 : i32
    %while3A_43 = arith.constant 1 : i32
    %while3A_44 = arith.divsi %while3A_41, %while3A_43 : i32
    %while3A_45 = arith.muli %while3A_44, %while3A_43 : i32
    %while3A_46 = arith.addi %while3A_40, %while3A_45 : i32
    %while3A_47 = arith.constant 1 : i32
    scf.for %while3A_55 = %while3A_40 to %while3A_46 step %while3A_47  : i32 {
      %jit3A_56 = arith.constant 2 : i32
      %eq3A_57 = arith.constant 0 : i32
      %eq3A_58 = arith.cmpi eq, %jit3A_56, %eq3A_57 : i32
      %jit3A_59 = arith.constant 1 : i32
      %select_n3A_60 = arith.select %eq3A_58, %jit3A_59, %jit3A_56 : i32
      %rem3A = arith.remsi %while3A_55, %select_n3A_60 : i32
      %ne3A = arith.constant 0 : i32
      %ne3A_61 = arith.cmpi ne, %rem3A, %ne3A : i32
      %lt3A_62 = arith.constant 0 : i32
      %lt3A_63 = arith.cmpi slt, %rem3A, %lt3A_62 : i32
      %lt3A_64 = arith.constant 0 : i32
      %lt3A_65 = arith.cmpi slt, %select_n3A_60, %lt3A_64 : i32
      %ne3A_66 = arith.xori %lt3A_63, %lt3A_65 : i1
      %and3A = arith.andi %ne3A_66, %ne3A_61 : i1
      %add3A_67 = arith.addi %rem3A, %select_n3A_60 : i32
      %select_n3A_68 = arith.select %and3A, %add3A_67, %rem3A : i32
      %dma_wait3A = arith.constant 0 : i32
      %dma_wait3A_69 = arith.constant 0 : i32
      %dma_wait3A_70 = tpu.memref_slice %arg6[%dma_wait3A, %dma_wait3A_69] : memref<2x128xi32, #tpu.memory_space<vmem>> -> memref<1x128xi32, #tpu.memory_space<vmem>>
      %dma_wait3A_71 = tpu.memref_squeeze %dma_wait3A_70 : memref<1x128xi32, #tpu.memory_space<vmem>> -> memref<128xi32, #tpu.memory_space<vmem>>
      %dma_wait3A_72 = arith.constant 0 : i32
      %dma_wait3A_73 = tpu.memref_slice %arg3[%dma_wait3A_72] : memref<320000xi32, #tpu.memory_space<hbm>> -> memref<128xi32, #tpu.memory_space<hbm>>
      %dma_wait3A_74 = arith.constant 0 : i32
      %dma_wait3A_75 = tpu.memref_slice %arg6[%dma_wait3A, %dma_wait3A_74] : memref<2x128xi32, #tpu.memory_space<vmem>> -> memref<1x128xi32, #tpu.memory_space<vmem>>
      %dma_wait3A_76 = tpu.memref_squeeze %dma_wait3A_75 : memref<1x128xi32, #tpu.memory_space<vmem>> -> memref<128xi32, #tpu.memory_space<vmem>>
      %dma_wait3A_77 = arith.constant 0 : i32
      %dma_wait3A_78 = tpu.memref_slice %arg3[%dma_wait3A_77] : memref<320000xi32, #tpu.memory_space<hbm>> -> memref<128xi32, #tpu.memory_space<hbm>>
      tpu.wait_dma2 semaphore(%arg9 : memref<!tpu.dma_semaphore, #tpu.memory_space<semaphore_mem>>) src(%dma_wait3A_78 : memref<128xi32, #tpu.memory_space<hbm>>) dst(%dma_wait3A_76 : memref<128xi32, #tpu.memory_space<vmem>>)
      %dma_wait3A_79 = arith.constant 0 : i32
      %dma_wait3A_80 = arith.constant 0 : i32
      %dma_wait3A_81 = arith.constant 0 : i32
      %dma_wait3A_82 = tpu.memref_slice %arg7[%dma_wait3A_79, %dma_wait3A_80, %dma_wait3A_81] : memref<2x128x128xf32, #tpu.memory_space<vmem>> -> memref<1x128x128xf32, #tpu.memory_space<vmem>>
      %dma_wait3A_83 = tpu.memref_squeeze %dma_wait3A_82 : memref<1x128x128xf32, #tpu.memory_space<vmem>> -> memref<128x128xf32, #tpu.memory_space<vmem>>
      %dma_wait3A_84 = arith.constant 0 : i32
      %dma_wait3A_85 = arith.constant 0 : i32
      %dma_wait3A_86 = tpu.memref_slice %arg2[%dma_wait3A_84, %dma_wait3A_85] : memref<320000x128xf32, #tpu.memory_space<hbm>> -> memref<128x128xf32, #tpu.memory_space<hbm>>
      %dma_wait3A_87 = arith.constant 0 : i32
      %dma_wait3A_88 = arith.constant 0 : i32
      %dma_wait3A_89 = tpu.memref_slice %arg7[%dma_wait3A_79, %dma_wait3A_87, %dma_wait3A_88] : memref<2x128x128xf32, #tpu.memory_space<vmem>> -> memref<1x128x128xf32, #tpu.memory_space<vmem>>
      %dma_wait3A_90 = tpu.memref_squeeze %dma_wait3A_89 : memref<1x128x128xf32, #tpu.memory_space<vmem>> -> memref<128x128xf32, #tpu.memory_space<vmem>>
      %dma_wait3A_91 = arith.constant 0 : i32
      %dma_wait3A_92 = arith.constant 0 : i32
      %dma_wait3A_93 = tpu.memref_slice %arg2[%dma_wait3A_91, %dma_wait3A_92] : memref<320000x128xf32, #tpu.memory_space<hbm>> -> memref<128x128xf32, #tpu.memory_space<hbm>>
      tpu.wait_dma2 semaphore(%arg9 : memref<!tpu.dma_semaphore, #tpu.memory_space<semaphore_mem>>) src(%dma_wait3A_93 : memref<128x128xf32, #tpu.memory_space<hbm>>) dst(%dma_wait3A_90 : memref<128x128xf32, #tpu.memory_space<vmem>>)
      %add3A_94 = arith.constant 1 : i32
      %add3A_95 = arith.addi %while3A_55, %add3A_94 : i32
      %lt3A_96 = arith.cmpi slt, %add3A_95, %select_n3A : i32
      %convert_element_type3A_97 = arith.extui %lt3A_96 : i1 to i32
      %cond3A_98 = arith.constant 0 : i32
      %cond3A_99 = arith.cmpi ne, %convert_element_type3A_97, %cond3A_98 : i32
      scf.if %cond3A_99 {
        %add3A_100 = arith.addi %select_n3A_15, %while3A_55 : i32
        %add3A_101 = arith.constant 1 : i32
        %add3A_102 = arith.addi %add3A_100, %add3A_101 : i32
        %add3A_103 = arith.constant 1 : i32
        %add3A_104 = arith.addi %while3A_55, %add3A_103 : i32
        %jit3A_105 = arith.constant 2 : i32
        %eq3A_106 = arith.constant 0 : i32
        %eq3A_107 = arith.cmpi eq, %jit3A_105, %eq3A_106 : i32
        %jit3A_108 = arith.constant 1 : i32
        %select_n3A_109 = arith.select %eq3A_107, %jit3A_108, %jit3A_105 : i32
        %rem3A_110 = arith.remsi %add3A_104, %select_n3A_109 : i32
        %ne3A_111 = arith.constant 0 : i32
        %ne3A_112 = arith.cmpi ne, %rem3A_110, %ne3A_111 : i32
        %lt3A_113 = arith.constant 0 : i32
        %lt3A_114 = arith.cmpi slt, %rem3A_110, %lt3A_113 : i32
        %lt3A_115 = arith.constant 0 : i32
        %lt3A_116 = arith.cmpi slt, %select_n3A_109, %lt3A_115 : i32
        %ne3A_117 = arith.xori %lt3A_114, %lt3A_116 : i1
        %and3A_118 = arith.andi %ne3A_117, %ne3A_112 : i1
        %add3A_119 = arith.addi %rem3A_110, %select_n3A_109 : i32
        %select_n3A_120 = arith.select %and3A_118, %add3A_119, %rem3A_110 : i32
        %mul3A_121 = arith.constant 128 : i32
        %mul3A_122 = arith.muli %add3A_102, %mul3A_121 : i32
        %multiple_of3A_123 = tpu.assume_multiple %mul3A_122, 128 : i32
        %dma_start3A_124 = arith.constant 0 : i32
        %dma_start3A_125 = tpu.memref_slice %arg6[%select_n3A_120, %dma_start3A_124] : memref<2x128xi32, #tpu.memory_space<vmem>> -> memref<1x128xi32, #tpu.memory_space<vmem>>
        %dma_start3A_126 = tpu.memref_squeeze %dma_start3A_125 : memref<1x128xi32, #tpu.memory_space<vmem>> -> memref<128xi32, #tpu.memory_space<vmem>>
        %dma_start3A_127 = tpu.memref_slice %arg3[%multiple_of3A_123] : memref<320000xi32, #tpu.memory_space<hbm>> -> memref<128xi32, #tpu.memory_space<hbm>>
        %dma_start3A_128 = arith.constant 0 : i32
        %dma_start3A_129 = tpu.memref_slice %arg6[%select_n3A_120, %dma_start3A_128] : memref<2x128xi32, #tpu.memory_space<vmem>> -> memref<1x128xi32, #tpu.memory_space<vmem>>
        %dma_start3A_130 = tpu.memref_squeeze %dma_start3A_129 : memref<1x128xi32, #tpu.memory_space<vmem>> -> memref<128xi32, #tpu.memory_space<vmem>>
        %dma_start3A_131 = tpu.memref_slice %arg3[%multiple_of3A_123] : memref<320000xi32, #tpu.memory_space<hbm>> -> memref<128xi32, #tpu.memory_space<hbm>>
        tpu.enqueue_dma source(%dma_start3A_131 : memref<128xi32, #tpu.memory_space<hbm>>) target(%dma_start3A_130 : memref<128xi32, #tpu.memory_space<vmem>>) target_semaphore(%arg9 : memref<!tpu.dma_semaphore, #tpu.memory_space<semaphore_mem>>)
        %dma_start3A_132 = arith.constant 0 : i32
        %dma_start3A_133 = arith.constant 0 : i32
        %dma_start3A_134 = tpu.memref_slice %arg7[%select_n3A_120, %dma_start3A_132, %dma_start3A_133] : memref<2x128x128xf32, #tpu.memory_space<vmem>> -> memref<1x128x128xf32, #tpu.memory_space<vmem>>
        %dma_start3A_135 = tpu.memref_squeeze %dma_start3A_134 : memref<1x128x128xf32, #tpu.memory_space<vmem>> -> memref<128x128xf32, #tpu.memory_space<vmem>>
        %dma_start3A_136 = arith.constant 0 : i32
        %dma_start3A_137 = tpu.memref_slice %arg2[%multiple_of3A_123, %dma_start3A_136] : memref<320000x128xf32, #tpu.memory_space<hbm>> -> memref<128x128xf32, #tpu.memory_space<hbm>>
        %dma_start3A_138 = arith.constant 0 : i32
        %dma_start3A_139 = arith.constant 0 : i32
        %dma_start3A_140 = tpu.memref_slice %arg7[%select_n3A_120, %dma_start3A_138, %dma_start3A_139] : memref<2x128x128xf32, #tpu.memory_space<vmem>> -> memref<1x128x128xf32, #tpu.memory_space<vmem>>
        %dma_start3A_141 = tpu.memref_squeeze %dma_start3A_140 : memref<1x128x128xf32, #tpu.memory_space<vmem>> -> memref<128x128xf32, #tpu.memory_space<vmem>>
        %dma_start3A_142 = arith.constant 0 : i32
        %dma_start3A_143 = tpu.memref_slice %arg2[%multiple_of3A_123, %dma_start3A_142] : memref<320000x128xf32, #tpu.memory_space<hbm>> -> memref<128x128xf32, #tpu.memory_space<hbm>>
        tpu.enqueue_dma source(%dma_start3A_143 : memref<128x128xf32, #tpu.memory_space<hbm>>) target(%dma_start3A_141 : memref<128x128xf32, #tpu.memory_space<vmem>>) target_semaphore(%arg9 : memref<!tpu.dma_semaphore, #tpu.memory_space<semaphore_mem>>)
      } else {
      }
      "tpu.region"() ({
        %run_scoped3A = tpu.sem_alloc : memref<!tpu.dma_semaphore, #tpu.memory_space<semaphore_mem>>
        %dma_start3A_100 = arith.constant 0 : i32
        %dma_start3A_101 = arith.constant 0 : i32
        %dma_start3A_102 = tpu.memref_slice %arg7[%select_n3A_68, %dma_start3A_100, %dma_start3A_101] : memref<2x128x128xf32, #tpu.memory_space<vmem>> -> memref<1x128x128xf32, #tpu.memory_space<vmem>>
        %dma_start3A_103 = tpu.memref_squeeze %dma_start3A_102 : memref<1x128x128xf32, #tpu.memory_space<vmem>> -> memref<128x128xf32, #tpu.memory_space<vmem>>
        %dma_start3A_104 = arith.constant 0 : i32
        %dma_start3A_105 = tpu.memref_slice %arg6[%select_n3A_68, %dma_start3A_104] : memref<2x128xi32, #tpu.memory_space<vmem>> -> memref<1x128xi32, #tpu.memory_space<vmem>>
        %dma_start3A_106 = tpu.memref_squeeze %dma_start3A_105 : memref<1x128xi32, #tpu.memory_space<vmem>> -> memref<128xi32, #tpu.memory_space<vmem>>
        %dma_start3A_107 = arith.constant 0 : i32
        %dma_start3A_108 = arith.constant 0 : i32
        %dma_start3A_109 = tpu.memref_slice %arg8[%dma_start3A_107, %dma_start3A_108] : memref<10000x128xf32, #tpu.memory_space<vmem_shared>> -> memref<10000x128xf32, #tpu.memory_space<vmem_shared>>
        tpu.enqueue_indirect_dma source(%dma_start3A_103 : memref<128x128xf32, #tpu.memory_space<vmem>>) target(%dma_start3A_109 : memref<10000x128xf32, #tpu.memory_space<vmem_shared>>) offsets(%dma_start3A_106 : memref<128xi32, #tpu.memory_space<vmem>>) semaphore(%run_scoped3A : memref<!tpu.dma_semaphore, #tpu.memory_space<semaphore_mem>>) {add = true}
        %dma_wait3A_110 = arith.constant 0 : i32
        %dma_wait3A_111 = arith.constant 0 : i32
        %dma_wait3A_112 = tpu.memref_slice %arg7[%select_n3A_68, %dma_wait3A_110, %dma_wait3A_111] : memref<2x128x128xf32, #tpu.memory_space<vmem>> -> memref<1x128x128xf32, #tpu.memory_space<vmem>>
        %dma_wait3A_113 = tpu.memref_squeeze %dma_wait3A_112 : memref<1x128x128xf32, #tpu.memory_space<vmem>> -> memref<128x128xf32, #tpu.memory_space<vmem>>
        %dma_wait3A_114 = arith.constant 0 : i32
        %dma_wait3A_115 = tpu.memref_slice %arg6[%select_n3A_68, %dma_wait3A_114] : memref<2x128xi32, #tpu.memory_space<vmem>> -> memref<1x128xi32, #tpu.memory_space<vmem>>
        %dma_wait3A_116 = tpu.memref_squeeze %dma_wait3A_115 : memref<1x128xi32, #tpu.memory_space<vmem>> -> memref<128xi32, #tpu.memory_space<vmem>>
        %dma_wait3A_117 = arith.constant 0 : i32
        %dma_wait3A_118 = arith.constant 0 : i32
        %dma_wait3A_119 = tpu.memref_slice %arg8[%dma_wait3A_117, %dma_wait3A_118] : memref<10000x128xf32, #tpu.memory_space<vmem_shared>> -> memref<10000x128xf32, #tpu.memory_space<vmem_shared>>
        tpu.wait_indirect_dma semaphore(%run_scoped3A : memref<!tpu.dma_semaphore, #tpu.memory_space<semaphore_mem>>) src(%dma_wait3A_113 : memref<128x128xf32, #tpu.memory_space<vmem>>) dst(%dma_wait3A_119 : memref<10000x128xf32, #tpu.memory_space<vmem_shared>>)
        tpu.yield
      }) : () -> ()
    }
    %while3A_48 = arith.constant 1 : i32
    scf.for %while3A_55 = %while3A_46 to %while3A_42 step %while3A_48  : i32 {
      %jit3A_56 = arith.constant 2 : i32
      %eq3A_57 = arith.constant 0 : i32
      %eq3A_58 = arith.cmpi eq, %jit3A_56, %eq3A_57 : i32
      %jit3A_59 = arith.constant 1 : i32
      %select_n3A_60 = arith.select %eq3A_58, %jit3A_59, %jit3A_56 : i32
      %rem3A = arith.remsi %while3A_55, %select_n3A_60 : i32
      %ne3A = arith.constant 0 : i32
      %ne3A_61 = arith.cmpi ne, %rem3A, %ne3A : i32
      %lt3A_62 = arith.constant 0 : i32
      %lt3A_63 = arith.cmpi slt, %rem3A, %lt3A_62 : i32
      %lt3A_64 = arith.constant 0 : i32
      %lt3A_65 = arith.cmpi slt, %select_n3A_60, %lt3A_64 : i32
      %ne3A_66 = arith.xori %lt3A_63, %lt3A_65 : i1
      %and3A = arith.andi %ne3A_66, %ne3A_61 : i1
      %add3A_67 = arith.addi %rem3A, %select_n3A_60 : i32
      %select_n3A_68 = arith.select %and3A, %add3A_67, %rem3A : i32
      %dma_wait3A = arith.constant 0 : i32
      %dma_wait3A_69 = arith.constant 0 : i32
      %dma_wait3A_70 = tpu.memref_slice %arg6[%dma_wait3A, %dma_wait3A_69] : memref<2x128xi32, #tpu.memory_space<vmem>> -> memref<1x128xi32, #tpu.memory_space<vmem>>
      %dma_wait3A_71 = tpu.memref_squeeze %dma_wait3A_70 : memref<1x128xi32, #tpu.memory_space<vmem>> -> memref<128xi32, #tpu.memory_space<vmem>>
      %dma_wait3A_72 = arith.constant 0 : i32
      %dma_wait3A_73 = tpu.memref_slice %arg3[%dma_wait3A_72] : memref<320000xi32, #tpu.memory_space<hbm>> -> memref<128xi32, #tpu.memory_space<hbm>>
      %dma_wait3A_74 = arith.constant 0 : i32
      %dma_wait3A_75 = tpu.memref_slice %arg6[%dma_wait3A, %dma_wait3A_74] : memref<2x128xi32, #tpu.memory_space<vmem>> -> memref<1x128xi32, #tpu.memory_space<vmem>>
      %dma_wait3A_76 = tpu.memref_squeeze %dma_wait3A_75 : memref<1x128xi32, #tpu.memory_space<vmem>> -> memref<128xi32, #tpu.memory_space<vmem>>
      %dma_wait3A_77 = arith.constant 0 : i32
      %dma_wait3A_78 = tpu.memref_slice %arg3[%dma_wait3A_77] : memref<320000xi32, #tpu.memory_space<hbm>> -> memref<128xi32, #tpu.memory_space<hbm>>
      tpu.wait_dma2 semaphore(%arg9 : memref<!tpu.dma_semaphore, #tpu.memory_space<semaphore_mem>>) src(%dma_wait3A_78 : memref<128xi32, #tpu.memory_space<hbm>>) dst(%dma_wait3A_76 : memref<128xi32, #tpu.memory_space<vmem>>)
      %dma_wait3A_79 = arith.constant 0 : i32
      %dma_wait3A_80 = arith.constant 0 : i32
      %dma_wait3A_81 = arith.constant 0 : i32
      %dma_wait3A_82 = tpu.memref_slice %arg7[%dma_wait3A_79, %dma_wait3A_80, %dma_wait3A_81] : memref<2x128x128xf32, #tpu.memory_space<vmem>> -> memref<1x128x128xf32, #tpu.memory_space<vmem>>
      %dma_wait3A_83 = tpu.memref_squeeze %dma_wait3A_82 : memref<1x128x128xf32, #tpu.memory_space<vmem>> -> memref<128x128xf32, #tpu.memory_space<vmem>>
      %dma_wait3A_84 = arith.constant 0 : i32
      %dma_wait3A_85 = arith.constant 0 : i32
      %dma_wait3A_86 = tpu.memref_slice %arg2[%dma_wait3A_84, %dma_wait3A_85] : memref<320000x128xf32, #tpu.memory_space<hbm>> -> memref<128x128xf32, #tpu.memory_space<hbm>>
      %dma_wait3A_87 = arith.constant 0 : i32
      %dma_wait3A_88 = arith.constant 0 : i32
      %dma_wait3A_89 = tpu.memref_slice %arg7[%dma_wait3A_79, %dma_wait3A_87, %dma_wait3A_88] : memref<2x128x128xf32, #tpu.memory_space<vmem>> -> memref<1x128x128xf32, #tpu.memory_space<vmem>>
      %dma_wait3A_90 = tpu.memref_squeeze %dma_wait3A_89 : memref<1x128x128xf32, #tpu.memory_space<vmem>> -> memref<128x128xf32, #tpu.memory_space<vmem>>
      %dma_wait3A_91 = arith.constant 0 : i32
      %dma_wait3A_92 = arith.constant 0 : i32
      %dma_wait3A_93 = tpu.memref_slice %arg2[%dma_wait3A_91, %dma_wait3A_92] : memref<320000x128xf32, #tpu.memory_space<hbm>> -> memref<128x128xf32, #tpu.memory_space<hbm>>
      tpu.wait_dma2 semaphore(%arg9 : memref<!tpu.dma_semaphore, #tpu.memory_space<semaphore_mem>>) src(%dma_wait3A_93 : memref<128x128xf32, #tpu.memory_space<hbm>>) dst(%dma_wait3A_90 : memref<128x128xf32, #tpu.memory_space<vmem>>)
      %add3A_94 = arith.constant 1 : i32
      %add3A_95 = arith.addi %while3A_55, %add3A_94 : i32
      %lt3A_96 = arith.cmpi slt, %add3A_95, %select_n3A : i32
      %convert_element_type3A_97 = arith.extui %lt3A_96 : i1 to i32
      %cond3A_98 = arith.constant 0 : i32
      %cond3A_99 = arith.cmpi ne, %convert_element_type3A_97, %cond3A_98 : i32
      scf.if %cond3A_99 {
        %add3A_100 = arith.addi %select_n3A_15, %while3A_55 : i32
        %add3A_101 = arith.constant 1 : i32
        %add3A_102 = arith.addi %add3A_100, %add3A_101 : i32
        %add3A_103 = arith.constant 1 : i32
        %add3A_104 = arith.addi %while3A_55, %add3A_103 : i32
        %jit3A_105 = arith.constant 2 : i32
        %eq3A_106 = arith.constant 0 : i32
        %eq3A_107 = arith.cmpi eq, %jit3A_105, %eq3A_106 : i32
        %jit3A_108 = arith.constant 1 : i32
        %select_n3A_109 = arith.select %eq3A_107, %jit3A_108, %jit3A_105 : i32
        %rem3A_110 = arith.remsi %add3A_104, %select_n3A_109 : i32
        %ne3A_111 = arith.constant 0 : i32
        %ne3A_112 = arith.cmpi ne, %rem3A_110, %ne3A_111 : i32
        %lt3A_113 = arith.constant 0 : i32
        %lt3A_114 = arith.cmpi slt, %rem3A_110, %lt3A_113 : i32
        %lt3A_115 = arith.constant 0 : i32
        %lt3A_116 = arith.cmpi slt, %select_n3A_109, %lt3A_115 : i32
        %ne3A_117 = arith.xori %lt3A_114, %lt3A_116 : i1
        %and3A_118 = arith.andi %ne3A_117, %ne3A_112 : i1
        %add3A_119 = arith.addi %rem3A_110, %select_n3A_109 : i32
        %select_n3A_120 = arith.select %and3A_118, %add3A_119, %rem3A_110 : i32
        %mul3A_121 = arith.constant 128 : i32
        %mul3A_122 = arith.muli %add3A_102, %mul3A_121 : i32
        %multiple_of3A_123 = tpu.assume_multiple %mul3A_122, 128 : i32
        %dma_start3A_124 = arith.constant 0 : i32
        %dma_start3A_125 = tpu.memref_slice %arg6[%select_n3A_120, %dma_start3A_124] : memref<2x128xi32, #tpu.memory_space<vmem>> -> memref<1x128xi32, #tpu.memory_space<vmem>>
        %dma_start3A_126 = tpu.memref_squeeze %dma_start3A_125 : memref<1x128xi32, #tpu.memory_space<vmem>> -> memref<128xi32, #tpu.memory_space<vmem>>
        %dma_start3A_127 = tpu.memref_slice %arg3[%multiple_of3A_123] : memref<320000xi32, #tpu.memory_space<hbm>> -> memref<128xi32, #tpu.memory_space<hbm>>
        %dma_start3A_128 = arith.constant 0 : i32
        %dma_start3A_129 = tpu.memref_slice %arg6[%select_n3A_120, %dma_start3A_128] : memref<2x128xi32, #tpu.memory_space<vmem>> -> memref<1x128xi32, #tpu.memory_space<vmem>>
        %dma_start3A_130 = tpu.memref_squeeze %dma_start3A_129 : memref<1x128xi32, #tpu.memory_space<vmem>> -> memref<128xi32, #tpu.memory_space<vmem>>
        %dma_start3A_131 = tpu.memref_slice %arg3[%multiple_of3A_123] : memref<320000xi32, #tpu.memory_space<hbm>> -> memref<128xi32, #tpu.memory_space<hbm>>
        tpu.enqueue_dma source(%dma_start3A_131 : memref<128xi32, #tpu.memory_space<hbm>>) target(%dma_start3A_130 : memref<128xi32, #tpu.memory_space<vmem>>) target_semaphore(%arg9 : memref<!tpu.dma_semaphore, #tpu.memory_space<semaphore_mem>>)
        %dma_start3A_132 = arith.constant 0 : i32
        %dma_start3A_133 = arith.constant 0 : i32
        %dma_start3A_134 = tpu.memref_slice %arg7[%select_n3A_120, %dma_start3A_132, %dma_start3A_133] : memref<2x128x128xf32, #tpu.memory_space<vmem>> -> memref<1x128x128xf32, #tpu.memory_space<vmem>>
        %dma_start3A_135 = tpu.memref_squeeze %dma_start3A_134 : memref<1x128x128xf32, #tpu.memory_space<vmem>> -> memref<128x128xf32, #tpu.memory_space<vmem>>
        %dma_start3A_136 = arith.constant 0 : i32
        %dma_start3A_137 = tpu.memref_slice %arg2[%multiple_of3A_123, %dma_start3A_136] : memref<320000x128xf32, #tpu.memory_space<hbm>> -> memref<128x128xf32, #tpu.memory_space<hbm>>
        %dma_start3A_138 = arith.constant 0 : i32
        %dma_start3A_139 = arith.constant 0 : i32
        %dma_start3A_140 = tpu.memref_slice %arg7[%select_n3A_120, %dma_start3A_138, %dma_start3A_139] : memref<2x128x128xf32, #tpu.memory_space<vmem>> -> memref<1x128x128xf32, #tpu.memory_space<vmem>>
        %dma_start3A_141 = tpu.memref_squeeze %dma_start3A_140 : memref<1x128x128xf32, #tpu.memory_space<vmem>> -> memref<128x128xf32, #tpu.memory_space<vmem>>
        %dma_start3A_142 = arith.constant 0 : i32
        %dma_start3A_143 = tpu.memref_slice %arg2[%multiple_of3A_123, %dma_start3A_142] : memref<320000x128xf32, #tpu.memory_space<hbm>> -> memref<128x128xf32, #tpu.memory_space<hbm>>
        tpu.enqueue_dma source(%dma_start3A_143 : memref<128x128xf32, #tpu.memory_space<hbm>>) target(%dma_start3A_141 : memref<128x128xf32, #tpu.memory_space<vmem>>) target_semaphore(%arg9 : memref<!tpu.dma_semaphore, #tpu.memory_space<semaphore_mem>>)
      } else {
      }
      "tpu.region"() ({
        %run_scoped3A = tpu.sem_alloc : memref<!tpu.dma_semaphore, #tpu.memory_space<semaphore_mem>>
        %dma_start3A_100 = arith.constant 0 : i32
        %dma_start3A_101 = arith.constant 0 : i32
        %dma_start3A_102 = tpu.memref_slice %arg7[%select_n3A_68, %dma_start3A_100, %dma_start3A_101] : memref<2x128x128xf32, #tpu.memory_space<vmem>> -> memref<1x128x128xf32, #tpu.memory_space<vmem>>
        %dma_start3A_103 = tpu.memref_squeeze %dma_start3A_102 : memref<1x128x128xf32, #tpu.memory_space<vmem>> -> memref<128x128xf32, #tpu.memory_space<vmem>>
        %dma_start3A_104 = arith.constant 0 : i32
        %dma_start3A_105 = tpu.memref_slice %arg6[%select_n3A_68, %dma_start3A_104] : memref<2x128xi32, #tpu.memory_space<vmem>> -> memref<1x128xi32, #tpu.memory_space<vmem>>
        %dma_start3A_106 = tpu.memref_squeeze %dma_start3A_105 : memref<1x128xi32, #tpu.memory_space<vmem>> -> memref<128xi32, #tpu.memory_space<vmem>>
        %dma_start3A_107 = arith.constant 0 : i32
        %dma_start3A_108 = arith.constant 0 : i32
        %dma_start3A_109 = tpu.memref_slice %arg8[%dma_start3A_107, %dma_start3A_108] : memref<10000x128xf32, #tpu.memory_space<vmem_shared>> -> memref<10000x128xf32, #tpu.memory_space<vmem_shared>>
        tpu.enqueue_indirect_dma source(%dma_start3A_103 : memref<128x128xf32, #tpu.memory_space<vmem>>) target(%dma_start3A_109 : memref<10000x128xf32, #tpu.memory_space<vmem_shared>>) offsets(%dma_start3A_106 : memref<128xi32, #tpu.memory_space<vmem>>) semaphore(%run_scoped3A : memref<!tpu.dma_semaphore, #tpu.memory_space<semaphore_mem>>) {add = true}
        %dma_wait3A_110 = arith.constant 0 : i32
        %dma_wait3A_111 = arith.constant 0 : i32
        %dma_wait3A_112 = tpu.memref_slice %arg7[%select_n3A_68, %dma_wait3A_110, %dma_wait3A_111] : memref<2x128x128xf32, #tpu.memory_space<vmem>> -> memref<1x128x128xf32, #tpu.memory_space<vmem>>
        %dma_wait3A_113 = tpu.memref_squeeze %dma_wait3A_112 : memref<1x128x128xf32, #tpu.memory_space<vmem>> -> memref<128x128xf32, #tpu.memory_space<vmem>>
        %dma_wait3A_114 = arith.constant 0 : i32
        %dma_wait3A_115 = tpu.memref_slice %arg6[%select_n3A_68, %dma_wait3A_114] : memref<2x128xi32, #tpu.memory_space<vmem>> -> memref<1x128xi32, #tpu.memory_space<vmem>>
        %dma_wait3A_116 = tpu.memref_squeeze %dma_wait3A_115 : memref<1x128xi32, #tpu.memory_space<vmem>> -> memref<128xi32, #tpu.memory_space<vmem>>
        %dma_wait3A_117 = arith.constant 0 : i32
        %dma_wait3A_118 = arith.constant 0 : i32
        %dma_wait3A_119 = tpu.memref_slice %arg8[%dma_wait3A_117, %dma_wait3A_118] : memref<10000x128xf32, #tpu.memory_space<vmem_shared>> -> memref<10000x128xf32, #tpu.memory_space<vmem_shared>>
        tpu.wait_indirect_dma semaphore(%run_scoped3A : memref<!tpu.dma_semaphore, #tpu.memory_space<semaphore_mem>>) src(%dma_wait3A_113 : memref<128x128xf32, #tpu.memory_space<vmem>>) dst(%dma_wait3A_119 : memref<10000x128xf32, #tpu.memory_space<vmem_shared>>)
        tpu.yield
      }) : () -> ()
    }
    %barrier3A_49 = arith.constant 0 : index
    tpu.barrier barrier_id(%barrier3A_49)
    "tpu.region"() ({
      %run_scoped3A = tpu.sem_alloc : memref<!tpu.dma_semaphore, #tpu.memory_space<semaphore_mem>>
      %dma_start3A_55 = arith.constant 0 : i32
      %dma_start3A_56 = tpu.memref_slice %arg5[%arg0, %multiple_of3A, %dma_start3A_55] : memref<2x10000x128xf32, #tpu.memory_space<hbm>> -> memref<1x624x128xf32, #tpu.memory_space<hbm>>
      %dma_start3A_57 = tpu.memref_squeeze %dma_start3A_56 : memref<1x624x128xf32, #tpu.memory_space<hbm>> -> memref<624x128xf32, #tpu.memory_space<hbm>>
      %dma_start3A_58 = arith.constant 0 : i32
      %dma_start3A_59 = tpu.memref_slice %arg8[%multiple_of3A, %dma_start3A_58] : memref<10000x128xf32, #tpu.memory_space<vmem_shared>> -> memref<624x128xf32, #tpu.memory_space<vmem_shared>>
      tpu.enqueue_dma source(%dma_start3A_59 : memref<624x128xf32, #tpu.memory_space<vmem_shared>>) target(%dma_start3A_57 : memref<624x128xf32, #tpu.memory_space<hbm>>) target_semaphore(%run_scoped3A : memref<!tpu.dma_semaphore, #tpu.memory_space<semaphore_mem>>)
      %dma_wait3A = arith.constant 0 : i32
      %dma_wait3A_60 = tpu.memref_slice %arg5[%arg0, %multiple_of3A, %dma_wait3A] : memref<2x10000x128xf32, #tpu.memory_space<hbm>> -> memref<1x624x128xf32, #tpu.memory_space<hbm>>
      %dma_wait3A_61 = tpu.memref_squeeze %dma_wait3A_60 : memref<1x624x128xf32, #tpu.memory_space<hbm>> -> memref<624x128xf32, #tpu.memory_space<hbm>>
      %dma_wait3A_62 = arith.constant 0 : i32
      %dma_wait3A_63 = tpu.memref_slice %arg8[%multiple_of3A, %dma_wait3A_62] : memref<10000x128xf32, #tpu.memory_space<vmem_shared>> -> memref<624x128xf32, #tpu.memory_space<vmem_shared>>
      tpu.wait_dma2 semaphore(%run_scoped3A : memref<!tpu.dma_semaphore, #tpu.memory_space<semaphore_mem>>) src(%dma_wait3A_63 : memref<624x128xf32, #tpu.memory_space<vmem_shared>>) dst(%dma_wait3A_61 : memref<624x128xf32, #tpu.memory_space<hbm>>)
      tpu.yield
    }) : () -> ()
    %eq3A_50 = arith.constant 0 : i32
    %eq3A_51 = arith.cmpi eq, %arg1, %eq3A_50 : i32
    %convert_element_type3A_52 = arith.extui %eq3A_51 : i1 to i32
    %cond3A_53 = arith.constant 0 : i32
    %cond3A_54 = arith.cmpi ne, %convert_element_type3A_52, %cond3A_53 : i32
    scf.if %cond3A_54 {
      "tpu.region"() ({
        %run_scoped3A = tpu.sem_alloc : memref<!tpu.dma_semaphore, #tpu.memory_space<semaphore_mem>>
        %dma_start3A_55 = arith.constant 9984 : i32
        %dma_start3A_56 = arith.constant 0 : i32
        %dma_start3A_57 = tpu.memref_slice %arg5[%arg0, %dma_start3A_55, %dma_start3A_56] : memref<2x10000x128xf32, #tpu.memory_space<hbm>> -> memref<1x16x128xf32, #tpu.memory_space<hbm>>
        %dma_start3A_58 = tpu.memref_squeeze %dma_start3A_57 : memref<1x16x128xf32, #tpu.memory_space<hbm>> -> memref<16x128xf32, #tpu.memory_space<hbm>>
        %dma_start3A_59 = arith.constant 9984 : i32
        %dma_start3A_60 = arith.constant 0 : i32
        %dma_start3A_61 = tpu.memref_slice %arg8[%dma_start3A_59, %dma_start3A_60] : memref<10000x128xf32, #tpu.memory_space<vmem_shared>> -> memref<16x128xf32, #tpu.memory_space<vmem_shared>>
        tpu.enqueue_dma source(%dma_start3A_61 : memref<16x128xf32, #tpu.memory_space<vmem_shared>>) target(%dma_start3A_58 : memref<16x128xf32, #tpu.memory_space<hbm>>) target_semaphore(%run_scoped3A : memref<!tpu.dma_semaphore, #tpu.memory_space<semaphore_mem>>)
        %dma_wait3A = arith.constant 9984 : i32
        %dma_wait3A_62 = arith.constant 0 : i32
        %dma_wait3A_63 = tpu.memref_slice %arg5[%arg0, %dma_wait3A, %dma_wait3A_62] : memref<2x10000x128xf32, #tpu.memory_space<hbm>> -> memref<1x16x128xf32, #tpu.memory_space<hbm>>
        %dma_wait3A_64 = tpu.memref_squeeze %dma_wait3A_63 : memref<1x16x128xf32, #tpu.memory_space<hbm>> -> memref<16x128xf32, #tpu.memory_space<hbm>>
        %dma_wait3A_65 = arith.constant 9984 : i32
        %dma_wait3A_66 = arith.constant 0 : i32
        %dma_wait3A_67 = tpu.memref_slice %arg8[%dma_wait3A_65, %dma_wait3A_66] : memref<10000x128xf32, #tpu.memory_space<vmem_shared>> -> memref<16x128xf32, #tpu.memory_space<vmem_shared>>
        tpu.wait_dma2 semaphore(%run_scoped3A : memref<!tpu.dma_semaphore, #tpu.memory_space<semaphore_mem>>) src(%dma_wait3A_67 : memref<16x128xf32, #tpu.memory_space<vmem_shared>>) dst(%dma_wait3A_64 : memref<16x128xf32, #tpu.memory_space<hbm>>)
        tpu.yield
      }) : () -> ()
    } else {
    }
    return
  }
}

#map = affine_map<(d0, d1) -> (0, 0)>
#map1 = affine_map<(d0, d1) -> (0)>
#map2 = affine_map<(d0, d1) -> (0, 0, 0)>
module attributes {stable_mosaic.version = 14 : i64} {
  func.func @k(%arg0: i32, %arg1: i32, %arg2: memref<320000x128xf32, #tpu.memory_space<hbm>>, %arg3: memref<320000xi32, #tpu.memory_space<hbm>>, %arg4: memref<624x128xf32, #tpu.memory_space<hbm>>, %arg5: memref<2x10000x128xf32, #tpu.memory_space<hbm>>, %arg6: memref<2x128xi32, #tpu.memory_space<vmem>>, %arg7: memref<2x128x128xf32, #tpu.memory_space<vmem>>, %arg8: memref<10000x128xf32, #tpu.memory_space<vmem_shared>>, %arg9: memref<!tpu.dma_semaphore, #tpu.memory_space<semaphore_mem>>) attributes {dimension_semantics = [#tpu.dimension_semantics<core_parallel>, #tpu.dimension_semantics<subcore_parallel>], iteration_bounds = array<i64: 2, 16>, scalar_prefetch = 0 : i64, scratch_operands = 4 : i64, tpu.core_type = #tpu.core_type<sc_vector_subcore>, window_params = [{transform_indices = #map}, {transform_indices = #map1}, {transform_indices = #map}, {transform_indices = #map2}]} {
    %mul3A = arith.constant 2 : i32
    %mul3A_0 = arith.muli %arg1, %mul3A : i32
    %add3A = arith.addi %mul3A_0, %arg0 : i32
    %mul3A_1 = arith.constant 624 : i32
    %mul3A_2 = arith.muli %arg1, %mul3A_1 : i32
    %multiple_of3A = tpu.assume_multiple %mul3A_2, 8 : i32
    "tpu.region"() ({
      %run_scoped3A = tpu.sem_alloc : memref<!tpu.dma_semaphore, #tpu.memory_space<semaphore_mem>>
      %dma_start3A_55 = arith.constant 0 : i32
      %dma_start3A_56 = tpu.memref_slice %arg8[%multiple_of3A, %dma_start3A_55] : memref<10000x128xf32, #tpu.memory_space<vmem_shared>> -> memref<624x128xf32, #tpu.memory_space<vmem_shared>>
      %dma_start3A_57 = arith.constant 0 : i32
      %dma_start3A_58 = arith.constant 0 : i32
      %dma_start3A_59 = tpu.memref_slice %arg4[%dma_start3A_57, %dma_start3A_58] : memref<624x128xf32, #tpu.memory_space<hbm>> -> memref<624x128xf32, #tpu.memory_space<hbm>>
      tpu.enqueue_dma source(%dma_start3A_59 : memref<624x128xf32, #tpu.memory_space<hbm>>) target(%dma_start3A_56 : memref<624x128xf32, #tpu.memory_space<vmem_shared>>) target_semaphore(%run_scoped3A : memref<!tpu.dma_semaphore, #tpu.memory_space<semaphore_mem>>)
      %dma_wait3A = arith.constant 0 : i32
      %dma_wait3A_60 = tpu.memref_slice %arg8[%multiple_of3A, %dma_wait3A] : memref<10000x128xf32, #tpu.memory_space<vmem_shared>> -> memref<624x128xf32, #tpu.memory_space<vmem_shared>>
      %dma_wait3A_61 = arith.constant 0 : i32
      %dma_wait3A_62 = arith.constant 0 : i32
      %dma_wait3A_63 = tpu.memref_slice %arg4[%dma_wait3A_61, %dma_wait3A_62] : memref<624x128xf32, #tpu.memory_space<hbm>> -> memref<624x128xf32, #tpu.memory_space<hbm>>
      tpu.wait_dma2 semaphore(%run_scoped3A : memref<!tpu.dma_semaphore, #tpu.memory_space<semaphore_mem>>) src(%dma_wait3A_63 : memref<624x128xf32, #tpu.memory_space<hbm>>) dst(%dma_wait3A_60 : memref<624x128xf32, #tpu.memory_space<vmem_shared>>)
      tpu.yield
    }) : () -> ()
    %eq3A = arith.constant 0 : i32
    %eq3A_3 = arith.cmpi eq, %arg1, %eq3A : i32
    %convert_element_type3A = arith.extui %eq3A_3 : i1 to i32
    %cond3A = arith.constant 0 : i32
    %cond3A_4 = arith.cmpi ne, %convert_element_type3A, %cond3A : i32
    scf.if %cond3A_4 {
      "tpu.region"() ({
        %run_scoped3A = tpu.sem_alloc : memref<!tpu.dma_semaphore, #tpu.memory_space<semaphore_mem>>
        %dma_start3A_55 = arith.constant 9984 : i32
        %dma_start3A_56 = arith.constant 0 : i32
        %dma_start3A_57 = tpu.memref_slice %arg8[%dma_start3A_55, %dma_start3A_56] : memref<10000x128xf32, #tpu.memory_space<vmem_shared>> -> memref<16x128xf32, #tpu.memory_space<vmem_shared>>
        %dma_start3A_58 = arith.constant 0 : i32
        %dma_start3A_59 = arith.constant 0 : i32
        %dma_start3A_60 = tpu.memref_slice %arg4[%dma_start3A_58, %dma_start3A_59] : memref<624x128xf32, #tpu.memory_space<hbm>> -> memref<16x128xf32, #tpu.memory_space<hbm>>
        tpu.enqueue_dma source(%dma_start3A_60 : memref<16x128xf32, #tpu.memory_space<hbm>>) target(%dma_start3A_57 : memref<16x128xf32, #tpu.memory_space<vmem_shared>>) target_semaphore(%run_scoped3A : memref<!tpu.dma_semaphore, #tpu.memory_space<semaphore_mem>>)
        %dma_wait3A = arith.constant 9984 : i32
        %dma_wait3A_61 = arith.constant 0 : i32
        %dma_wait3A_62 = tpu.memref_slice %arg8[%dma_wait3A, %dma_wait3A_61] : memref<10000x128xf32, #tpu.memory_space<vmem_shared>> -> memref<16x128xf32, #tpu.memory_space<vmem_shared>>
        %dma_wait3A_63 = arith.constant 0 : i32
        %dma_wait3A_64 = arith.constant 0 : i32
        %dma_wait3A_65 = tpu.memref_slice %arg4[%dma_wait3A_63, %dma_wait3A_64] : memref<624x128xf32, #tpu.memory_space<hbm>> -> memref<16x128xf32, #tpu.memory_space<hbm>>
        tpu.wait_dma2 semaphore(%run_scoped3A : memref<!tpu.dma_semaphore, #tpu.memory_space<semaphore_mem>>) src(%dma_wait3A_65 : memref<16x128xf32, #tpu.memory_space<hbm>>) dst(%dma_wait3A_62 : memref<16x128xf32, #tpu.memory_space<vmem_shared>>)
        tpu.yield
      }) : () -> ()
    } else {
    }
    %barrier3A = arith.constant 0 : index
    tpu.barrier barrier_id(%barrier3A)
    %lt3A = arith.constant 4 : i32
    %lt3A_5 = arith.cmpi slt, %add3A, %lt3A : i32
    %jit3A = arith.constant 79 : i32
    %jit3A_6 = arith.constant 78 : i32
    %select_n3A = arith.select %lt3A_5, %jit3A, %jit3A_6 : i32
    %lt3A_7 = arith.constant 4 : i32
    %lt3A_8 = arith.cmpi slt, %add3A, %lt3A_7 : i32
    %mul3A_9 = arith.constant 79 : i32
    %mul3A_10 = arith.muli %mul3A_9, %add3A : i32
    %mul3A_11 = arith.constant 78 : i32
    %mul3A_12 = arith.muli %mul3A_11, %add3A : i32
    %add3A_13 = arith.constant 4 : i32
    %add3A_14 = arith.addi %mul3A_12, %add3A_13 : i32
    %select_n3A_15 = arith.select %lt3A_8, %mul3A_10, %add3A_14 : i32
    %mul3A_16 = arith.constant 128 : i32
    %mul3A_17 = arith.muli %select_n3A_15, %mul3A_16 : i32
    %multiple_of3A_18 = tpu.assume_multiple %mul3A_17, 128 : i32
    %dma_start3A = arith.constant 0 : i32
    %dma_start3A_19 = arith.constant 0 : i32
    %dma_start3A_20 = tpu.memref_slice %arg6[%dma_start3A, %dma_start3A_19] : memref<2x128xi32, #tpu.memory_space<vmem>> -> memref<1x128xi32, #tpu.memory_space<vmem>>
    %dma_start3A_21 = tpu.memref_squeeze %dma_start3A_20 : memref<1x128xi32, #tpu.memory_space<vmem>> -> memref<128xi32, #tpu.memory_space<vmem>>
    %dma_start3A_22 = tpu.memref_slice %arg3[%multiple_of3A_18] : memref<320000xi32, #tpu.memory_space<hbm>> -> memref<128xi32, #tpu.memory_space<hbm>>
    %dma_start3A_23 = arith.constant 0 : i32
    %dma_start3A_24 = tpu.memref_slice %arg6[%dma_start3A, %dma_start3A_23] : memref<2x128xi32, #tpu.memory_space<vmem>> -> memref<1x128xi32, #tpu.memory_space<vmem>>
    %dma_start3A_25 = tpu.memref_squeeze %dma_start3A_24 : memref<1x128xi32, #tpu.memory_space<vmem>> -> memref<128xi32, #tpu.memory_space<vmem>>
    %dma_start3A_26 = tpu.memref_slice %arg3[%multiple_of3A_18] : memref<320000xi32, #tpu.memory_space<hbm>> -> memref<128xi32, #tpu.memory_space<hbm>>
    tpu.enqueue_dma source(%dma_start3A_26 : memref<128xi32, #tpu.memory_space<hbm>>) target(%dma_start3A_25 : memref<128xi32, #tpu.memory_space<vmem>>) target_semaphore(%arg9 : memref<!tpu.dma_semaphore, #tpu.memory_space<semaphore_mem>>)
    %dma_start3A_27 = arith.constant 0 : i32
    %dma_start3A_28 = arith.constant 0 : i32
    %dma_start3A_29 = arith.constant 0 : i32
    %dma_start3A_30 = tpu.memref_slice %arg7[%dma_start3A_27, %dma_start3A_28, %dma_start3A_29] : memref<2x128x128xf32, #tpu.memory_space<vmem>> -> memref<1x128x128xf32, #tpu.memory_space<vmem>>
    %dma_start3A_31 = tpu.memref_squeeze %dma_start3A_30 : memref<1x128x128xf32, #tpu.memory_space<vmem>> -> memref<128x128xf32, #tpu.memory_space<vmem>>
    %dma_start3A_32 = arith.constant 0 : i32
    %dma_start3A_33 = tpu.memref_slice %arg2[%multiple_of3A_18, %dma_start3A_32] : memref<320000x128xf32, #tpu.memory_space<hbm>> -> memref<128x128xf32, #tpu.memory_space<hbm>>
    %dma_start3A_34 = arith.constant 0 : i32
    %dma_start3A_35 = arith.constant 0 : i32
    %dma_start3A_36 = tpu.memref_slice %arg7[%dma_start3A_27, %dma_start3A_34, %dma_start3A_35] : memref<2x128x128xf32, #tpu.memory_space<vmem>> -> memref<1x128x128xf32, #tpu.memory_space<vmem>>
    %dma_start3A_37 = tpu.memref_squeeze %dma_start3A_36 : memref<1x128x128xf32, #tpu.memory_space<vmem>> -> memref<128x128xf32, #tpu.memory_space<vmem>>
    %dma_start3A_38 = arith.constant 0 : i32
    %dma_start3A_39 = tpu.memref_slice %arg2[%multiple_of3A_18, %dma_start3A_38] : memref<320000x128xf32, #tpu.memory_space<hbm>> -> memref<128x128xf32, #tpu.memory_space<hbm>>
    tpu.enqueue_dma source(%dma_start3A_39 : memref<128x128xf32, #tpu.memory_space<hbm>>) target(%dma_start3A_37 : memref<128x128xf32, #tpu.memory_space<vmem>>) target_semaphore(%arg9 : memref<!tpu.dma_semaphore, #tpu.memory_space<semaphore_mem>>)
    %while3A = arith.constant 0 : i32
    %while3A_40 = arith.constant 0 : i32
    %while3A_41 = arith.subi %select_n3A, %while3A_40 : i32
    %while3A_42 = arith.addi %while3A_40, %while3A_41 : i32
    %while3A_43 = arith.constant 1 : i32
    %while3A_44 = arith.divsi %while3A_41, %while3A_43 : i32
    %while3A_45 = arith.muli %while3A_44, %while3A_43 : i32
    %while3A_46 = arith.addi %while3A_40, %while3A_45 : i32
    %while3A_47 = arith.constant 1 : i32
    scf.for %while3A_55 = %while3A_40 to %while3A_46 step %while3A_47  : i32 {
      %jit3A_56 = arith.constant 2 : i32
      %eq3A_57 = arith.constant 0 : i32
      %eq3A_58 = arith.cmpi eq, %jit3A_56, %eq3A_57 : i32
      %jit3A_59 = arith.constant 1 : i32
      %select_n3A_60 = arith.select %eq3A_58, %jit3A_59, %jit3A_56 : i32
      %rem3A = arith.remsi %while3A_55, %select_n3A_60 : i32
      %ne3A = arith.constant 0 : i32
      %ne3A_61 = arith.cmpi ne, %rem3A, %ne3A : i32
      %lt3A_62 = arith.constant 0 : i32
      %lt3A_63 = arith.cmpi slt, %rem3A, %lt3A_62 : i32
      %lt3A_64 = arith.constant 0 : i32
      %lt3A_65 = arith.cmpi slt, %select_n3A_60, %lt3A_64 : i32
      %ne3A_66 = arith.xori %lt3A_63, %lt3A_65 : i1
      %and3A = arith.andi %ne3A_66, %ne3A_61 : i1
      %add3A_67 = arith.addi %rem3A, %select_n3A_60 : i32
      %select_n3A_68 = arith.select %and3A, %add3A_67, %rem3A : i32
      %dma_wait3A = arith.constant 0 : i32
      %dma_wait3A_69 = arith.constant 0 : i32
      %dma_wait3A_70 = tpu.memref_slice %arg6[%dma_wait3A, %dma_wait3A_69] : memref<2x128xi32, #tpu.memory_space<vmem>> -> memref<1x128xi32, #tpu.memory_space<vmem>>
      %dma_wait3A_71 = tpu.memref_squeeze %dma_wait3A_70 : memref<1x128xi32, #tpu.memory_space<vmem>> -> memref<128xi32, #tpu.memory_space<vmem>>
      %dma_wait3A_72 = arith.constant 0 : i32
      %dma_wait3A_73 = tpu.memref_slice %arg3[%dma_wait3A_72] : memref<320000xi32, #tpu.memory_space<hbm>> -> memref<128xi32, #tpu.memory_space<hbm>>
      %dma_wait3A_74 = arith.constant 0 : i32
      %dma_wait3A_75 = tpu.memref_slice %arg6[%dma_wait3A, %dma_wait3A_74] : memref<2x128xi32, #tpu.memory_space<vmem>> -> memref<1x128xi32, #tpu.memory_space<vmem>>
      %dma_wait3A_76 = tpu.memref_squeeze %dma_wait3A_75 : memref<1x128xi32, #tpu.memory_space<vmem>> -> memref<128xi32, #tpu.memory_space<vmem>>
      %dma_wait3A_77 = arith.constant 0 : i32
      %dma_wait3A_78 = tpu.memref_slice %arg3[%dma_wait3A_77] : memref<320000xi32, #tpu.memory_space<hbm>> -> memref<128xi32, #tpu.memory_space<hbm>>
      tpu.wait_dma2 semaphore(%arg9 : memref<!tpu.dma_semaphore, #tpu.memory_space<semaphore_mem>>) src(%dma_wait3A_78 : memref<128xi32, #tpu.memory_space<hbm>>) dst(%dma_wait3A_76 : memref<128xi32, #tpu.memory_space<vmem>>)
      %dma_wait3A_79 = arith.constant 0 : i32
      %dma_wait3A_80 = arith.constant 0 : i32
      %dma_wait3A_81 = arith.constant 0 : i32
      %dma_wait3A_82 = tpu.memref_slice %arg7[%dma_wait3A_79, %dma_wait3A_80, %dma_wait3A_81] : memref<2x128x128xf32, #tpu.memory_space<vmem>> -> memref<1x128x128xf32, #tpu.memory_space<vmem>>
      %dma_wait3A_83 = tpu.memref_squeeze %dma_wait3A_82 : memref<1x128x128xf32, #tpu.memory_space<vmem>> -> memref<128x128xf32, #tpu.memory_space<vmem>>
      %dma_wait3A_84 = arith.constant 0 : i32
      %dma_wait3A_85 = arith.constant 0 : i32
      %dma_wait3A_86 = tpu.memref_slice %arg2[%dma_wait3A_84, %dma_wait3A_85] : memref<320000x128xf32, #tpu.memory_space<hbm>> -> memref<128x128xf32, #tpu.memory_space<hbm>>
      %dma_wait3A_87 = arith.constant 0 : i32
      %dma_wait3A_88 = arith.constant 0 : i32
      %dma_wait3A_89 = tpu.memref_slice %arg7[%dma_wait3A_79, %dma_wait3A_87, %dma_wait3A_88] : memref<2x128x128xf32, #tpu.memory_space<vmem>> -> memref<1x128x128xf32, #tpu.memory_space<vmem>>
      %dma_wait3A_90 = tpu.memref_squeeze %dma_wait3A_89 : memref<1x128x128xf32, #tpu.memory_space<vmem>> -> memref<128x128xf32, #tpu.memory_space<vmem>>
      %dma_wait3A_91 = arith.constant 0 : i32
      %dma_wait3A_92 = arith.constant 0 : i32
      %dma_wait3A_93 = tpu.memref_slice %arg2[%dma_wait3A_91, %dma_wait3A_92] : memref<320000x128xf32, #tpu.memory_space<hbm>> -> memref<128x128xf32, #tpu.memory_space<hbm>>
      tpu.wait_dma2 semaphore(%arg9 : memref<!tpu.dma_semaphore, #tpu.memory_space<semaphore_mem>>) src(%dma_wait3A_93 : memref<128x128xf32, #tpu.memory_space<hbm>>) dst(%dma_wait3A_90 : memref<128x128xf32, #tpu.memory_space<vmem>>)
      %add3A_94 = arith.constant 1 : i32
      %add3A_95 = arith.addi %while3A_55, %add3A_94 : i32
      %lt3A_96 = arith.cmpi slt, %add3A_95, %select_n3A : i32
      %convert_element_type3A_97 = arith.extui %lt3A_96 : i1 to i32
      %cond3A_98 = arith.constant 0 : i32
      %cond3A_99 = arith.cmpi ne, %convert_element_type3A_97, %cond3A_98 : i32
      scf.if %cond3A_99 {
        %add3A_100 = arith.addi %select_n3A_15, %while3A_55 : i32
        %add3A_101 = arith.constant 1 : i32
        %add3A_102 = arith.addi %add3A_100, %add3A_101 : i32
        %add3A_103 = arith.constant 1 : i32
        %add3A_104 = arith.addi %while3A_55, %add3A_103 : i32
        %jit3A_105 = arith.constant 2 : i32
        %eq3A_106 = arith.constant 0 : i32
        %eq3A_107 = arith.cmpi eq, %jit3A_105, %eq3A_106 : i32
        %jit3A_108 = arith.constant 1 : i32
        %select_n3A_109 = arith.select %eq3A_107, %jit3A_108, %jit3A_105 : i32
        %rem3A_110 = arith.remsi %add3A_104, %select_n3A_109 : i32
        %ne3A_111 = arith.constant 0 : i32
        %ne3A_112 = arith.cmpi ne, %rem3A_110, %ne3A_111 : i32
        %lt3A_113 = arith.constant 0 : i32
        %lt3A_114 = arith.cmpi slt, %rem3A_110, %lt3A_113 : i32
        %lt3A_115 = arith.constant 0 : i32
        %lt3A_116 = arith.cmpi slt, %select_n3A_109, %lt3A_115 : i32
        %ne3A_117 = arith.xori %lt3A_114, %lt3A_116 : i1
        %and3A_118 = arith.andi %ne3A_117, %ne3A_112 : i1
        %add3A_119 = arith.addi %rem3A_110, %select_n3A_109 : i32
        %select_n3A_120 = arith.select %and3A_118, %add3A_119, %rem3A_110 : i32
        %mul3A_121 = arith.constant 128 : i32
        %mul3A_122 = arith.muli %add3A_102, %mul3A_121 : i32
        %multiple_of3A_123 = tpu.assume_multiple %mul3A_122, 128 : i32
        %dma_start3A_124 = arith.constant 0 : i32
        %dma_start3A_125 = tpu.memref_slice %arg6[%select_n3A_120, %dma_start3A_124] : memref<2x128xi32, #tpu.memory_space<vmem>> -> memref<1x128xi32, #tpu.memory_space<vmem>>
        %dma_start3A_126 = tpu.memref_squeeze %dma_start3A_125 : memref<1x128xi32, #tpu.memory_space<vmem>> -> memref<128xi32, #tpu.memory_space<vmem>>
        %dma_start3A_127 = tpu.memref_slice %arg3[%multiple_of3A_123] : memref<320000xi32, #tpu.memory_space<hbm>> -> memref<128xi32, #tpu.memory_space<hbm>>
        %dma_start3A_128 = arith.constant 0 : i32
        %dma_start3A_129 = tpu.memref_slice %arg6[%select_n3A_120, %dma_start3A_128] : memref<2x128xi32, #tpu.memory_space<vmem>> -> memref<1x128xi32, #tpu.memory_space<vmem>>
        %dma_start3A_130 = tpu.memref_squeeze %dma_start3A_129 : memref<1x128xi32, #tpu.memory_space<vmem>> -> memref<128xi32, #tpu.memory_space<vmem>>
        %dma_start3A_131 = tpu.memref_slice %arg3[%multiple_of3A_123] : memref<320000xi32, #tpu.memory_space<hbm>> -> memref<128xi32, #tpu.memory_space<hbm>>
        tpu.enqueue_dma source(%dma_start3A_131 : memref<128xi32, #tpu.memory_space<hbm>>) target(%dma_start3A_130 : memref<128xi32, #tpu.memory_space<vmem>>) target_semaphore(%arg9 : memref<!tpu.dma_semaphore, #tpu.memory_space<semaphore_mem>>)
        %dma_start3A_132 = arith.constant 0 : i32
        %dma_start3A_133 = arith.constant 0 : i32
        %dma_start3A_134 = tpu.memref_slice %arg7[%select_n3A_120, %dma_start3A_132, %dma_start3A_133] : memref<2x128x128xf32, #tpu.memory_space<vmem>> -> memref<1x128x128xf32, #tpu.memory_space<vmem>>
        %dma_start3A_135 = tpu.memref_squeeze %dma_start3A_134 : memref<1x128x128xf32, #tpu.memory_space<vmem>> -> memref<128x128xf32, #tpu.memory_space<vmem>>
        %dma_start3A_136 = arith.constant 0 : i32
        %dma_start3A_137 = tpu.memref_slice %arg2[%multiple_of3A_123, %dma_start3A_136] : memref<320000x128xf32, #tpu.memory_space<hbm>> -> memref<128x128xf32, #tpu.memory_space<hbm>>
        %dma_start3A_138 = arith.constant 0 : i32
        %dma_start3A_139 = arith.constant 0 : i32
        %dma_start3A_140 = tpu.memref_slice %arg7[%select_n3A_120, %dma_start3A_138, %dma_start3A_139] : memref<2x128x128xf32, #tpu.memory_space<vmem>> -> memref<1x128x128xf32, #tpu.memory_space<vmem>>
        %dma_start3A_141 = tpu.memref_squeeze %dma_start3A_140 : memref<1x128x128xf32, #tpu.memory_space<vmem>> -> memref<128x128xf32, #tpu.memory_space<vmem>>
        %dma_start3A_142 = arith.constant 0 : i32
        %dma_start3A_143 = tpu.memref_slice %arg2[%multiple_of3A_123, %dma_start3A_142] : memref<320000x128xf32, #tpu.memory_space<hbm>> -> memref<128x128xf32, #tpu.memory_space<hbm>>
        tpu.enqueue_dma source(%dma_start3A_143 : memref<128x128xf32, #tpu.memory_space<hbm>>) target(%dma_start3A_141 : memref<128x128xf32, #tpu.memory_space<vmem>>) target_semaphore(%arg9 : memref<!tpu.dma_semaphore, #tpu.memory_space<semaphore_mem>>)
      } else {
      }
      "tpu.region"() ({
        %run_scoped3A = tpu.sem_alloc : memref<!tpu.dma_semaphore, #tpu.memory_space<semaphore_mem>>
        %dma_start3A_100 = arith.constant 0 : i32
        %dma_start3A_101 = arith.constant 0 : i32
        %dma_start3A_102 = tpu.memref_slice %arg7[%select_n3A_68, %dma_start3A_100, %dma_start3A_101] : memref<2x128x128xf32, #tpu.memory_space<vmem>> -> memref<1x128x128xf32, #tpu.memory_space<vmem>>
        %dma_start3A_103 = tpu.memref_squeeze %dma_start3A_102 : memref<1x128x128xf32, #tpu.memory_space<vmem>> -> memref<128x128xf32, #tpu.memory_space<vmem>>
        %dma_start3A_104 = arith.constant 0 : i32
        %dma_start3A_105 = tpu.memref_slice %arg6[%select_n3A_68, %dma_start3A_104] : memref<2x128xi32, #tpu.memory_space<vmem>> -> memref<1x128xi32, #tpu.memory_space<vmem>>
        %dma_start3A_106 = tpu.memref_squeeze %dma_start3A_105 : memref<1x128xi32, #tpu.memory_space<vmem>> -> memref<128xi32, #tpu.memory_space<vmem>>
        %dma_start3A_107 = arith.constant 0 : i32
        %dma_start3A_108 = arith.constant 0 : i32
        %dma_start3A_109 = tpu.memref_slice %arg8[%dma_start3A_107, %dma_start3A_108] : memref<10000x128xf32, #tpu.memory_space<vmem_shared>> -> memref<10000x128xf32, #tpu.memory_space<vmem_shared>>
        tpu.enqueue_indirect_dma source(%dma_start3A_103 : memref<128x128xf32, #tpu.memory_space<vmem>>) target(%dma_start3A_109 : memref<10000x128xf32, #tpu.memory_space<vmem_shared>>) offsets(%dma_start3A_106 : memref<128xi32, #tpu.memory_space<vmem>>) semaphore(%run_scoped3A : memref<!tpu.dma_semaphore, #tpu.memory_space<semaphore_mem>>) {add = true}
        %dma_wait3A_110 = arith.constant 0 : i32
        %dma_wait3A_111 = arith.constant 0 : i32
        %dma_wait3A_112 = tpu.memref_slice %arg7[%select_n3A_68, %dma_wait3A_110, %dma_wait3A_111] : memref<2x128x128xf32, #tpu.memory_space<vmem>> -> memref<1x128x128xf32, #tpu.memory_space<vmem>>
        %dma_wait3A_113 = tpu.memref_squeeze %dma_wait3A_112 : memref<1x128x128xf32, #tpu.memory_space<vmem>> -> memref<128x128xf32, #tpu.memory_space<vmem>>
        %dma_wait3A_114 = arith.constant 0 : i32
        %dma_wait3A_115 = tpu.memref_slice %arg6[%select_n3A_68, %dma_wait3A_114] : memref<2x128xi32, #tpu.memory_space<vmem>> -> memref<1x128xi32, #tpu.memory_space<vmem>>
        %dma_wait3A_116 = tpu.memref_squeeze %dma_wait3A_115 : memref<1x128xi32, #tpu.memory_space<vmem>> -> memref<128xi32, #tpu.memory_space<vmem>>
        %dma_wait3A_117 = arith.constant 0 : i32
        %dma_wait3A_118 = arith.constant 0 : i32
        %dma_wait3A_119 = tpu.memref_slice %arg8[%dma_wait3A_117, %dma_wait3A_118] : memref<10000x128xf32, #tpu.memory_space<vmem_shared>> -> memref<10000x128xf32, #tpu.memory_space<vmem_shared>>
        tpu.wait_indirect_dma semaphore(%run_scoped3A : memref<!tpu.dma_semaphore, #tpu.memory_space<semaphore_mem>>) src(%dma_wait3A_113 : memref<128x128xf32, #tpu.memory_space<vmem>>) dst(%dma_wait3A_119 : memref<10000x128xf32, #tpu.memory_space<vmem_shared>>)
        tpu.yield
      }) : () -> ()
    }
    %while3A_48 = arith.constant 1 : i32
    scf.for %while3A_55 = %while3A_46 to %while3A_42 step %while3A_48  : i32 {
      %jit3A_56 = arith.constant 2 : i32
      %eq3A_57 = arith.constant 0 : i32
      %eq3A_58 = arith.cmpi eq, %jit3A_56, %eq3A_57 : i32
      %jit3A_59 = arith.constant 1 : i32
      %select_n3A_60 = arith.select %eq3A_58, %jit3A_59, %jit3A_56 : i32
      %rem3A = arith.remsi %while3A_55, %select_n3A_60 : i32
      %ne3A = arith.constant 0 : i32
      %ne3A_61 = arith.cmpi ne, %rem3A, %ne3A : i32
      %lt3A_62 = arith.constant 0 : i32
      %lt3A_63 = arith.cmpi slt, %rem3A, %lt3A_62 : i32
      %lt3A_64 = arith.constant 0 : i32
      %lt3A_65 = arith.cmpi slt, %select_n3A_60, %lt3A_64 : i32
      %ne3A_66 = arith.xori %lt3A_63, %lt3A_65 : i1
      %and3A = arith.andi %ne3A_66, %ne3A_61 : i1
      %add3A_67 = arith.addi %rem3A, %select_n3A_60 : i32
      %select_n3A_68 = arith.select %and3A, %add3A_67, %rem3A : i32
      %dma_wait3A = arith.constant 0 : i32
      %dma_wait3A_69 = arith.constant 0 : i32
      %dma_wait3A_70 = tpu.memref_slice %arg6[%dma_wait3A, %dma_wait3A_69] : memref<2x128xi32, #tpu.memory_space<vmem>> -> memref<1x128xi32, #tpu.memory_space<vmem>>
      %dma_wait3A_71 = tpu.memref_squeeze %dma_wait3A_70 : memref<1x128xi32, #tpu.memory_space<vmem>> -> memref<128xi32, #tpu.memory_space<vmem>>
      %dma_wait3A_72 = arith.constant 0 : i32
      %dma_wait3A_73 = tpu.memref_slice %arg3[%dma_wait3A_72] : memref<320000xi32, #tpu.memory_space<hbm>> -> memref<128xi32, #tpu.memory_space<hbm>>
      %dma_wait3A_74 = arith.constant 0 : i32
      %dma_wait3A_75 = tpu.memref_slice %arg6[%dma_wait3A, %dma_wait3A_74] : memref<2x128xi32, #tpu.memory_space<vmem>> -> memref<1x128xi32, #tpu.memory_space<vmem>>
      %dma_wait3A_76 = tpu.memref_squeeze %dma_wait3A_75 : memref<1x128xi32, #tpu.memory_space<vmem>> -> memref<128xi32, #tpu.memory_space<vmem>>
      %dma_wait3A_77 = arith.constant 0 : i32
      %dma_wait3A_78 = tpu.memref_slice %arg3[%dma_wait3A_77] : memref<320000xi32, #tpu.memory_space<hbm>> -> memref<128xi32, #tpu.memory_space<hbm>>
      tpu.wait_dma2 semaphore(%arg9 : memref<!tpu.dma_semaphore, #tpu.memory_space<semaphore_mem>>) src(%dma_wait3A_78 : memref<128xi32, #tpu.memory_space<hbm>>) dst(%dma_wait3A_76 : memref<128xi32, #tpu.memory_space<vmem>>)
      %dma_wait3A_79 = arith.constant 0 : i32
      %dma_wait3A_80 = arith.constant 0 : i32
      %dma_wait3A_81 = arith.constant 0 : i32
      %dma_wait3A_82 = tpu.memref_slice %arg7[%dma_wait3A_79, %dma_wait3A_80, %dma_wait3A_81] : memref<2x128x128xf32, #tpu.memory_space<vmem>> -> memref<1x128x128xf32, #tpu.memory_space<vmem>>
      %dma_wait3A_83 = tpu.memref_squeeze %dma_wait3A_82 : memref<1x128x128xf32, #tpu.memory_space<vmem>> -> memref<128x128xf32, #tpu.memory_space<vmem>>
      %dma_wait3A_84 = arith.constant 0 : i32
      %dma_wait3A_85 = arith.constant 0 : i32
      %dma_wait3A_86 = tpu.memref_slice %arg2[%dma_wait3A_84, %dma_wait3A_85] : memref<320000x128xf32, #tpu.memory_space<hbm>> -> memref<128x128xf32, #tpu.memory_space<hbm>>
      %dma_wait3A_87 = arith.constant 0 : i32
      %dma_wait3A_88 = arith.constant 0 : i32
      %dma_wait3A_89 = tpu.memref_slice %arg7[%dma_wait3A_79, %dma_wait3A_87, %dma_wait3A_88] : memref<2x128x128xf32, #tpu.memory_space<vmem>> -> memref<1x128x128xf32, #tpu.memory_space<vmem>>
      %dma_wait3A_90 = tpu.memref_squeeze %dma_wait3A_89 : memref<1x128x128xf32, #tpu.memory_space<vmem>> -> memref<128x128xf32, #tpu.memory_space<vmem>>
      %dma_wait3A_91 = arith.constant 0 : i32
      %dma_wait3A_92 = arith.constant 0 : i32
      %dma_wait3A_93 = tpu.memref_slice %arg2[%dma_wait3A_91, %dma_wait3A_92] : memref<320000x128xf32, #tpu.memory_space<hbm>> -> memref<128x128xf32, #tpu.memory_space<hbm>>
      tpu.wait_dma2 semaphore(%arg9 : memref<!tpu.dma_semaphore, #tpu.memory_space<semaphore_mem>>) src(%dma_wait3A_93 : memref<128x128xf32, #tpu.memory_space<hbm>>) dst(%dma_wait3A_90 : memref<128x128xf32, #tpu.memory_space<vmem>>)
      %add3A_94 = arith.constant 1 : i32
      %add3A_95 = arith.addi %while3A_55, %add3A_94 : i32
      %lt3A_96 = arith.cmpi slt, %add3A_95, %select_n3A : i32
      %convert_element_type3A_97 = arith.extui %lt3A_96 : i1 to i32
      %cond3A_98 = arith.constant 0 : i32
      %cond3A_99 = arith.cmpi ne, %convert_element_type3A_97, %cond3A_98 : i32
      scf.if %cond3A_99 {
        %add3A_100 = arith.addi %select_n3A_15, %while3A_55 : i32
        %add3A_101 = arith.constant 1 : i32
        %add3A_102 = arith.addi %add3A_100, %add3A_101 : i32
        %add3A_103 = arith.constant 1 : i32
        %add3A_104 = arith.addi %while3A_55, %add3A_103 : i32
        %jit3A_105 = arith.constant 2 : i32
        %eq3A_106 = arith.constant 0 : i32
        %eq3A_107 = arith.cmpi eq, %jit3A_105, %eq3A_106 : i32
        %jit3A_108 = arith.constant 1 : i32
        %select_n3A_109 = arith.select %eq3A_107, %jit3A_108, %jit3A_105 : i32
        %rem3A_110 = arith.remsi %add3A_104, %select_n3A_109 : i32
        %ne3A_111 = arith.constant 0 : i32
        %ne3A_112 = arith.cmpi ne, %rem3A_110, %ne3A_111 : i32
        %lt3A_113 = arith.constant 0 : i32
        %lt3A_114 = arith.cmpi slt, %rem3A_110, %lt3A_113 : i32
        %lt3A_115 = arith.constant 0 : i32
        %lt3A_116 = arith.cmpi slt, %select_n3A_109, %lt3A_115 : i32
        %ne3A_117 = arith.xori %lt3A_114, %lt3A_116 : i1
        %and3A_118 = arith.andi %ne3A_117, %ne3A_112 : i1
        %add3A_119 = arith.addi %rem3A_110, %select_n3A_109 : i32
        %select_n3A_120 = arith.select %and3A_118, %add3A_119, %rem3A_110 : i32
        %mul3A_121 = arith.constant 128 : i32
        %mul3A_122 = arith.muli %add3A_102, %mul3A_121 : i32
        %multiple_of3A_123 = tpu.assume_multiple %mul3A_122, 128 : i32
        %dma_start3A_124 = arith.constant 0 : i32
        %dma_start3A_125 = tpu.memref_slice %arg6[%select_n3A_120, %dma_start3A_124] : memref<2x128xi32, #tpu.memory_space<vmem>> -> memref<1x128xi32, #tpu.memory_space<vmem>>
        %dma_start3A_126 = tpu.memref_squeeze %dma_start3A_125 : memref<1x128xi32, #tpu.memory_space<vmem>> -> memref<128xi32, #tpu.memory_space<vmem>>
        %dma_start3A_127 = tpu.memref_slice %arg3[%multiple_of3A_123] : memref<320000xi32, #tpu.memory_space<hbm>> -> memref<128xi32, #tpu.memory_space<hbm>>
        %dma_start3A_128 = arith.constant 0 : i32
        %dma_start3A_129 = tpu.memref_slice %arg6[%select_n3A_120, %dma_start3A_128] : memref<2x128xi32, #tpu.memory_space<vmem>> -> memref<1x128xi32, #tpu.memory_space<vmem>>
        %dma_start3A_130 = tpu.memref_squeeze %dma_start3A_129 : memref<1x128xi32, #tpu.memory_space<vmem>> -> memref<128xi32, #tpu.memory_space<vmem>>
        %dma_start3A_131 = tpu.memref_slice %arg3[%multiple_of3A_123] : memref<320000xi32, #tpu.memory_space<hbm>> -> memref<128xi32, #tpu.memory_space<hbm>>
        tpu.enqueue_dma source(%dma_start3A_131 : memref<128xi32, #tpu.memory_space<hbm>>) target(%dma_start3A_130 : memref<128xi32, #tpu.memory_space<vmem>>) target_semaphore(%arg9 : memref<!tpu.dma_semaphore, #tpu.memory_space<semaphore_mem>>)
        %dma_start3A_132 = arith.constant 0 : i32
        %dma_start3A_133 = arith.constant 0 : i32
        %dma_start3A_134 = tpu.memref_slice %arg7[%select_n3A_120, %dma_start3A_132, %dma_start3A_133] : memref<2x128x128xf32, #tpu.memory_space<vmem>> -> memref<1x128x128xf32, #tpu.memory_space<vmem>>
        %dma_start3A_135 = tpu.memref_squeeze %dma_start3A_134 : memref<1x128x128xf32, #tpu.memory_space<vmem>> -> memref<128x128xf32, #tpu.memory_space<vmem>>
        %dma_start3A_136 = arith.constant 0 : i32
        %dma_start3A_137 = tpu.memref_slice %arg2[%multiple_of3A_123, %dma_start3A_136] : memref<320000x128xf32, #tpu.memory_space<hbm>> -> memref<128x128xf32, #tpu.memory_space<hbm>>
        %dma_start3A_138 = arith.constant 0 : i32
        %dma_start3A_139 = arith.constant 0 : i32
        %dma_start3A_140 = tpu.memref_slice %arg7[%select_n3A_120, %dma_start3A_138, %dma_start3A_139] : memref<2x128x128xf32, #tpu.memory_space<vmem>> -> memref<1x128x128xf32, #tpu.memory_space<vmem>>
        %dma_start3A_141 = tpu.memref_squeeze %dma_start3A_140 : memref<1x128x128xf32, #tpu.memory_space<vmem>> -> memref<128x128xf32, #tpu.memory_space<vmem>>
        %dma_start3A_142 = arith.constant 0 : i32
        %dma_start3A_143 = tpu.memref_slice %arg2[%multiple_of3A_123, %dma_start3A_142] : memref<320000x128xf32, #tpu.memory_space<hbm>> -> memref<128x128xf32, #tpu.memory_space<hbm>>
        tpu.enqueue_dma source(%dma_start3A_143 : memref<128x128xf32, #tpu.memory_space<hbm>>) target(%dma_start3A_141 : memref<128x128xf32, #tpu.memory_space<vmem>>) target_semaphore(%arg9 : memref<!tpu.dma_semaphore, #tpu.memory_space<semaphore_mem>>)
      } else {
      }
      "tpu.region"() ({
        %run_scoped3A = tpu.sem_alloc : memref<!tpu.dma_semaphore, #tpu.memory_space<semaphore_mem>>
        %dma_start3A_100 = arith.constant 0 : i32
        %dma_start3A_101 = arith.constant 0 : i32
        %dma_start3A_102 = tpu.memref_slice %arg7[%select_n3A_68, %dma_start3A_100, %dma_start3A_101] : memref<2x128x128xf32, #tpu.memory_space<vmem>> -> memref<1x128x128xf32, #tpu.memory_space<vmem>>
        %dma_start3A_103 = tpu.memref_squeeze %dma_start3A_102 : memref<1x128x128xf32, #tpu.memory_space<vmem>> -> memref<128x128xf32, #tpu.memory_space<vmem>>
        %dma_start3A_104 = arith.constant 0 : i32
        %dma_start3A_105 = tpu.memref_slice %arg6[%select_n3A_68, %dma_start3A_104] : memref<2x128xi32, #tpu.memory_space<vmem>> -> memref<1x128xi32, #tpu.memory_space<vmem>>
        %dma_start3A_106 = tpu.memref_squeeze %dma_start3A_105 : memref<1x128xi32, #tpu.memory_space<vmem>> -> memref<128xi32, #tpu.memory_space<vmem>>
        %dma_start3A_107 = arith.constant 0 : i32
        %dma_start3A_108 = arith.constant 0 : i32
        %dma_start3A_109 = tpu.memref_slice %arg8[%dma_start3A_107, %dma_start3A_108] : memref<10000x128xf32, #tpu.memory_space<vmem_shared>> -> memref<10000x128xf32, #tpu.memory_space<vmem_shared>>
        tpu.enqueue_indirect_dma source(%dma_start3A_103 : memref<128x128xf32, #tpu.memory_space<vmem>>) target(%dma_start3A_109 : memref<10000x128xf32, #tpu.memory_space<vmem_shared>>) offsets(%dma_start3A_106 : memref<128xi32, #tpu.memory_space<vmem>>) semaphore(%run_scoped3A : memref<!tpu.dma_semaphore, #tpu.memory_space<semaphore_mem>>) {add = true}
        %dma_wait3A_110 = arith.constant 0 : i32
        %dma_wait3A_111 = arith.constant 0 : i32
        %dma_wait3A_112 = tpu.memref_slice %arg7[%select_n3A_68, %dma_wait3A_110, %dma_wait3A_111] : memref<2x128x128xf32, #tpu.memory_space<vmem>> -> memref<1x128x128xf32, #tpu.memory_space<vmem>>
        %dma_wait3A_113 = tpu.memref_squeeze %dma_wait3A_112 : memref<1x128x128xf32, #tpu.memory_space<vmem>> -> memref<128x128xf32, #tpu.memory_space<vmem>>
        %dma_wait3A_114 = arith.constant 0 : i32
        %dma_wait3A_115 = tpu.memref_slice %arg6[%select_n3A_68, %dma_wait3A_114] : memref<2x128xi32, #tpu.memory_space<vmem>> -> memref<1x128xi32, #tpu.memory_space<vmem>>
        %dma_wait3A_116 = tpu.memref_squeeze %dma_wait3A_115 : memref<1x128xi32, #tpu.memory_space<vmem>> -> memref<128xi32, #tpu.memory_space<vmem>>
        %dma_wait3A_117 = arith.constant 0 : i32
        %dma_wait3A_118 = arith.constant 0 : i32
        %dma_wait3A_119 = tpu.memref_slice %arg8[%dma_wait3A_117, %dma_wait3A_118] : memref<10000x128xf32, #tpu.memory_space<vmem_shared>> -> memref<10000x128xf32, #tpu.memory_space<vmem_shared>>
        tpu.wait_indirect_dma semaphore(%run_scoped3A : memref<!tpu.dma_semaphore, #tpu.memory_space<semaphore_mem>>) src(%dma_wait3A_113 : memref<128x128xf32, #tpu.memory_space<vmem>>) dst(%dma_wait3A_119 : memref<10000x128xf32, #tpu.memory_space<vmem_shared>>)
        tpu.yield
      }) : () -> ()
    }
    %barrier3A_49 = arith.constant 0 : index
    tpu.barrier barrier_id(%barrier3A_49)
    "tpu.region"() ({
      %run_scoped3A = tpu.sem_alloc : memref<!tpu.dma_semaphore, #tpu.memory_space<semaphore_mem>>
      %dma_start3A_55 = arith.constant 0 : i32
      %dma_start3A_56 = tpu.memref_slice %arg5[%arg0, %multiple_of3A, %dma_start3A_55] : memref<2x10000x128xf32, #tpu.memory_space<hbm>> -> memref<1x624x128xf32, #tpu.memory_space<hbm>>
      %dma_start3A_57 = tpu.memref_squeeze %dma_start3A_56 : memref<1x624x128xf32, #tpu.memory_space<hbm>> -> memref<624x128xf32, #tpu.memory_space<hbm>>
      %dma_start3A_58 = arith.constant 0 : i32
      %dma_start3A_59 = tpu.memref_slice %arg8[%multiple_of3A, %dma_start3A_58] : memref<10000x128xf32, #tpu.memory_space<vmem_shared>> -> memref<624x128xf32, #tpu.memory_space<vmem_shared>>
      tpu.enqueue_dma source(%dma_start3A_59 : memref<624x128xf32, #tpu.memory_space<vmem_shared>>) target(%dma_start3A_57 : memref<624x128xf32, #tpu.memory_space<hbm>>) target_semaphore(%run_scoped3A : memref<!tpu.dma_semaphore, #tpu.memory_space<semaphore_mem>>)
      %dma_wait3A = arith.constant 0 : i32
      %dma_wait3A_60 = tpu.memref_slice %arg5[%arg0, %multiple_of3A, %dma_wait3A] : memref<2x10000x128xf32, #tpu.memory_space<hbm>> -> memref<1x624x128xf32, #tpu.memory_space<hbm>>
      %dma_wait3A_61 = tpu.memref_squeeze %dma_wait3A_60 : memref<1x624x128xf32, #tpu.memory_space<hbm>> -> memref<624x128xf32, #tpu.memory_space<hbm>>
      %dma_wait3A_62 = arith.constant 0 : i32
      %dma_wait3A_63 = tpu.memref_slice %arg8[%multiple_of3A, %dma_wait3A_62] : memref<10000x128xf32, #tpu.memory_space<vmem_shared>> -> memref<624x128xf32, #tpu.memory_space<vmem_shared>>
      tpu.wait_dma2 semaphore(%run_scoped3A : memref<!tpu.dma_semaphore, #tpu.memory_space<semaphore_mem>>) src(%dma_wait3A_63 : memref<624x128xf32, #tpu.memory_space<vmem_shared>>) dst(%dma_wait3A_61 : memref<624x128xf32, #tpu.memory_space<hbm>>)
      tpu.yield
    }) : () -> ()
    %eq3A_50 = arith.constant 0 : i32
    %eq3A_51 = arith.cmpi eq, %arg1, %eq3A_50 : i32
    %convert_element_type3A_52 = arith.extui %eq3A_51 : i1 to i32
    %cond3A_53 = arith.constant 0 : i32
    %cond3A_54 = arith.cmpi ne, %convert_element_type3A_52, %cond3A_53 : i32
    scf.if %cond3A_54 {
      "tpu.region"() ({
        %run_scoped3A = tpu.sem_alloc : memref<!tpu.dma_semaphore, #tpu.memory_space<semaphore_mem>>
        %dma_start3A_55 = arith.constant 9984 : i32
        %dma_start3A_56 = arith.constant 0 : i32
        %dma_start3A_57 = tpu.memref_slice %arg5[%arg0, %dma_start3A_55, %dma_start3A_56] : memref<2x10000x128xf32, #tpu.memory_space<hbm>> -> memref<1x16x128xf32, #tpu.memory_space<hbm>>
        %dma_start3A_58 = tpu.memref_squeeze %dma_start3A_57 : memref<1x16x128xf32, #tpu.memory_space<hbm>> -> memref<16x128xf32, #tpu.memory_space<hbm>>
        %dma_start3A_59 = arith.constant 9984 : i32
        %dma_start3A_60 = arith.constant 0 : i32
        %dma_start3A_61 = tpu.memref_slice %arg8[%dma_start3A_59, %dma_start3A_60] : memref<10000x128xf32, #tpu.memory_space<vmem_shared>> -> memref<16x128xf32, #tpu.memory_space<vmem_shared>>
        tpu.enqueue_dma source(%dma_start3A_61 : memref<16x128xf32, #tpu.memory_space<vmem_shared>>) target(%dma_start3A_58 : memref<16x128xf32, #tpu.memory_space<hbm>>) target_semaphore(%run_scoped3A : memref<!tpu.dma_semaphore, #tpu.memory_space<semaphore_mem>>)
        %dma_wait3A = arith.constant 9984 : i32
        %dma_wait3A_62 = arith.constant 0 : i32
        %dma_wait3A_63 = tpu.memref_slice %arg5[%arg0, %dma_wait3A, %dma_wait3A_62] : memref<2x10000x128xf32, #tpu.memory_space<hbm>> -> memref<1x16x128xf32, #tpu.memory_space<hbm>>
        %dma_wait3A_64 = tpu.memref_squeeze %dma_wait3A_63 : memref<1x16x128xf32, #tpu.memory_space<hbm>> -> memref<16x128xf32, #tpu.memory_space<hbm>>
        %dma_wait3A_65 = arith.constant 9984 : i32
        %dma_wait3A_66 = arith.constant 0 : i32
        %dma_wait3A_67 = tpu.memref_slice %arg8[%dma_wait3A_65, %dma_wait3A_66] : memref<10000x128xf32, #tpu.memory_space<vmem_shared>> -> memref<16x128xf32, #tpu.memory_space<vmem_shared>>
        tpu.wait_dma2 semaphore(%run_scoped3A : memref<!tpu.dma_semaphore, #tpu.memory_space<semaphore_mem>>) src(%dma_wait3A_67 : memref<16x128xf32, #tpu.memory_space<vmem_shared>>) dst(%dma_wait3A_64 : memref<16x128xf32, #tpu.memory_space<hbm>>)
        tpu.yield
      }) : () -> ()
    } else {
    }
    return
  }
}

module attributes {stable_mosaic.version = 14 : i64} {
  func.func @_linact_body(%arg0: i32, %arg1: memref<1000x128xf32, #tpu.memory_space<vmem>>, %arg2: memref<128x128xf32, #tpu.memory_space<vmem>>, %arg3: memref<1x128xf32, #tpu.memory_space<vmem>>, %arg4: memref<1000x128xf32, #tpu.memory_space<vmem>>) attributes {dimension_semantics = [#tpu.dimension_semantics<arbitrary>], iteration_bounds = array<i64: 10>, scalar_prefetch = 0 : i64, scratch_operands = 0 : i64, tpu.core_type = #tpu.core_type<tc>, window_params = [{transform_indices = @transform_0, window_bounds = array<i64: 1000, 128>}, {pipeline_mode = #tpu.pipeline_mode<synchronous>, transform_indices = @transform_1, window_bounds = array<i64: 128, 128>}, {pipeline_mode = #tpu.pipeline_mode<synchronous>, transform_indices = @transform_2, window_bounds = array<i64: 1, 128>}, {transform_indices = @transform_3, window_bounds = array<i64: 1000, 128>}]} {
    %get3A = arith.constant 0 : index
    %get3A_0 = arith.constant 0 : index
    %get3A_1 = vector.load %arg1[%get3A, %get3A_0] : memref<1000x128xf32, #tpu.memory_space<vmem>>, vector<1000x128xf32>
    %get3A_2 = arith.constant 0 : index
    %get3A_3 = arith.constant 0 : index
    %get3A_4 = vector.load %arg2[%get3A_2, %get3A_3] : memref<128x128xf32, #tpu.memory_space<vmem>>, vector<128x128xf32>
    %dot_general3A = arith.constant dense<0.000000e+00> : vector<1000x128xf32>
    %dot_general3A_5 = tpu.matmul %get3A_1, %get3A_4, %dot_general3A {dimension_numbers = #tpu.dot_dimension_numbers<[1], [0], [0], [1], [0, 0, 1, 1], [], []>, transpose_lhs_hint = false} : vector<1000x128xf32>, vector<128x128xf32>, vector<1000x128xf32> -> vector<1000x128xf32>
    %get3A_6 = arith.constant 0 : index
    %get3A_7 = arith.constant 0 : index
    %get3A_8 = vector.load %arg3[%get3A_6, %get3A_7] : memref<1x128xf32, #tpu.memory_space<vmem>>, vector<1x128xf32>
    %add3A = vector.broadcast %get3A_8 : vector<1x128xf32> to vector<1000x128xf32>
    %add3A_9 = arith.addf %dot_general3A_5, %add3A : vector<1000x128xf32>
    %neg3A = arith.constant 0.000000e+00 : f32
    %neg3A_10 = vector.broadcast %neg3A : f32 to vector<1000x128xf32>
    %neg3A_11 = arith.subf %neg3A_10, %add3A_9 : vector<1000x128xf32>
    %exp3A = math.exp %neg3A_11 : vector<1000x128xf32>
    %add3A_12 = arith.constant 1.000000e+00 : f32
    %add3A_13 = vector.broadcast %add3A_12 : f32 to vector<1000x128xf32>
    %add3A_14 = arith.addf %add3A_13, %exp3A : vector<1000x128xf32>
    %div3A = arith.divf %add3A_9, %add3A_14 : vector<1000x128xf32>
    %swap3A = arith.constant 0 : index
    %swap3A_15 = arith.constant 0 : index
    %swap3A_16 = vector.load %arg4[%swap3A, %swap3A_15] : memref<1000x128xf32, #tpu.memory_space<vmem>>, vector<1000x128xf32>
    tpu.vector_store %arg4[%swap3A, %swap3A_15], %div3A {strides = array<i32>} : memref<1000x128xf32, #tpu.memory_space<vmem>>, vector<1000x128xf32>,
    return
  }
  func.func @transform_0(%arg0: i32) -> (i32, i32) {
    %c0_i32 = arith.constant 0 : i32
    %c0_i32_0 = arith.constant 0 : i32
    return %arg0, %c0_i32 : i32, i32
  }
  func.func @transform_1(%arg0: i32) -> (i32, i32) {
    %c0_i32 = arith.constant 0 : i32
    %c0_i32_0 = arith.constant 0 : i32
    %c0_i32_1 = arith.constant 0 : i32
    return %c0_i32, %c0_i32_0 : i32, i32
  }
  func.func @transform_2(%arg0: i32) -> (i32, i32) {
    %c0_i32 = arith.constant 0 : i32
    %c0_i32_0 = arith.constant 0 : i32
    %c0_i32_1 = arith.constant 0 : i32
    return %c0_i32, %c0_i32_0 : i32, i32
  }
  func.func @transform_3(%arg0: i32) -> (i32, i32) {
    %c0_i32 = arith.constant 0 : i32
    %c0_i32_0 = arith.constant 0 : i32
    return %arg0, %c0_i32 : i32, i32
  }
}

module attributes {stable_mosaic.version = 14 : i64} {
  func.func @_edge_body(%arg0: i32, %arg1: memref<2000x128xf32, #tpu.memory_space<vmem>>, %arg2: memref<2000x6xf32, #tpu.memory_space<vmem>>, %arg3: memref<6x8xf32, #tpu.memory_space<vmem>>, %arg4: memref<8x128xf32, #tpu.memory_space<vmem>>, %arg5: memref<128x128xf32, #tpu.memory_space<vmem>>, %arg6: memref<1x128xf32, #tpu.memory_space<vmem>>, %arg7: memref<2000x128xf32, #tpu.memory_space<vmem>>) attributes {dimension_semantics = [#tpu.dimension_semantics<arbitrary>], iteration_bounds = array<i64: 160>, scalar_prefetch = 0 : i64, scratch_operands = 0 : i64, tpu.core_type = #tpu.core_type<tc>, window_params = [{transform_indices = @transform_0, window_bounds = array<i64: 2000, 128>}, {transform_indices = @transform_1, window_bounds = array<i64: 2000, 6>}, {pipeline_mode = #tpu.pipeline_mode<synchronous>, transform_indices = @transform_2, window_bounds = array<i64: 6, 8>}, {pipeline_mode = #tpu.pipeline_mode<synchronous>, transform_indices = @transform_3, window_bounds = array<i64: 8, 128>}, {pipeline_mode = #tpu.pipeline_mode<synchronous>, transform_indices = @transform_4, window_bounds = array<i64: 128, 128>}, {pipeline_mode = #tpu.pipeline_mode<synchronous>, transform_indices = @transform_5, window_bounds = array<i64: 1, 128>}, {transform_indices = @transform_6, window_bounds = array<i64: 2000, 128>}]} {
    %get3A = arith.constant 0 : index
    %get3A_0 = arith.constant 0 : index
    %get3A_1 = vector.load %arg3[%get3A, %get3A_0] : memref<6x8xf32, #tpu.memory_space<vmem>>, vector<6x8xf32>
    %get3A_2 = arith.constant 0 : index
    %get3A_3 = arith.constant 0 : index
    %get3A_4 = vector.load %arg4[%get3A_2, %get3A_3] : memref<8x128xf32, #tpu.memory_space<vmem>>, vector<8x128xf32>
    %slice3A = vector.extract_strided_slice %get3A_1 {offsets = [0, 0], sizes = [6, 1], strides = [1, 1]} : vector<6x8xf32> to vector<6x1xf32>
    %slice3A_5 = vector.extract_strided_slice %get3A_4 {offsets = [0, 0], sizes = [1, 128], strides = [1, 1]} : vector<8x128xf32> to vector<1x128xf32>
    %mul3A = vector.broadcast %slice3A : vector<6x1xf32> to vector<6x128xf32>
    %mul3A_6 = vector.broadcast %slice3A_5 : vector<1x128xf32> to vector<6x128xf32>
    %mul3A_7 = arith.mulf %mul3A, %mul3A_6 : vector<6x128xf32>
    %slice3A_8 = vector.extract_strided_slice %get3A_1 {offsets = [0, 1], sizes = [6, 1], strides = [1, 1]} : vector<6x8xf32> to vector<6x1xf32>
    %slice3A_9 = vector.extract_strided_slice %get3A_4 {offsets = [1, 0], sizes = [1, 128], strides = [1, 1]} : vector<8x128xf32> to vector<1x128xf32>
    %mul3A_10 = vector.broadcast %slice3A_8 : vector<6x1xf32> to vector<6x128xf32>
    %mul3A_11 = vector.broadcast %slice3A_9 : vector<1x128xf32> to vector<6x128xf32>
    %mul3A_12 = arith.mulf %mul3A_10, %mul3A_11 : vector<6x128xf32>
    %add3A = arith.addf %mul3A_7, %mul3A_12 : vector<6x128xf32>
    %slice3A_13 = vector.extract_strided_slice %get3A_1 {offsets = [0, 2], sizes = [6, 1], strides = [1, 1]} : vector<6x8xf32> to vector<6x1xf32>
    %slice3A_14 = vector.extract_strided_slice %get3A_4 {offsets = [2, 0], sizes = [1, 128], strides = [1, 1]} : vector<8x128xf32> to vector<1x128xf32>
    %mul3A_15 = vector.broadcast %slice3A_13 : vector<6x1xf32> to vector<6x128xf32>
    %mul3A_16 = vector.broadcast %slice3A_14 : vector<1x128xf32> to vector<6x128xf32>
    %mul3A_17 = arith.mulf %mul3A_15, %mul3A_16 : vector<6x128xf32>
    %add3A_18 = arith.addf %add3A, %mul3A_17 : vector<6x128xf32>
    %slice3A_19 = vector.extract_strided_slice %get3A_1 {offsets = [0, 3], sizes = [6, 1], strides = [1, 1]} : vector<6x8xf32> to vector<6x1xf32>
    %slice3A_20 = vector.extract_strided_slice %get3A_4 {offsets = [3, 0], sizes = [1, 128], strides = [1, 1]} : vector<8x128xf32> to vector<1x128xf32>
    %mul3A_21 = vector.broadcast %slice3A_19 : vector<6x1xf32> to vector<6x128xf32>
    %mul3A_22 = vector.broadcast %slice3A_20 : vector<1x128xf32> to vector<6x128xf32>
    %mul3A_23 = arith.mulf %mul3A_21, %mul3A_22 : vector<6x128xf32>
    %add3A_24 = arith.addf %add3A_18, %mul3A_23 : vector<6x128xf32>
    %slice3A_25 = vector.extract_strided_slice %get3A_1 {offsets = [0, 4], sizes = [6, 1], strides = [1, 1]} : vector<6x8xf32> to vector<6x1xf32>
    %slice3A_26 = vector.extract_strided_slice %get3A_4 {offsets = [4, 0], sizes = [1, 128], strides = [1, 1]} : vector<8x128xf32> to vector<1x128xf32>
    %mul3A_27 = vector.broadcast %slice3A_25 : vector<6x1xf32> to vector<6x128xf32>
    %mul3A_28 = vector.broadcast %slice3A_26 : vector<1x128xf32> to vector<6x128xf32>
    %mul3A_29 = arith.mulf %mul3A_27, %mul3A_28 : vector<6x128xf32>
    %add3A_30 = arith.addf %add3A_24, %mul3A_29 : vector<6x128xf32>
    %slice3A_31 = vector.extract_strided_slice %get3A_1 {offsets = [0, 5], sizes = [6, 1], strides = [1, 1]} : vector<6x8xf32> to vector<6x1xf32>
    %slice3A_32 = vector.extract_strided_slice %get3A_4 {offsets = [5, 0], sizes = [1, 128], strides = [1, 1]} : vector<8x128xf32> to vector<1x128xf32>
    %mul3A_33 = vector.broadcast %slice3A_31 : vector<6x1xf32> to vector<6x128xf32>
    %mul3A_34 = vector.broadcast %slice3A_32 : vector<1x128xf32> to vector<6x128xf32>
    %mul3A_35 = arith.mulf %mul3A_33, %mul3A_34 : vector<6x128xf32>
    %add3A_36 = arith.addf %add3A_30, %mul3A_35 : vector<6x128xf32>
    %slice3A_37 = vector.extract_strided_slice %get3A_1 {offsets = [0, 6], sizes = [6, 1], strides = [1, 1]} : vector<6x8xf32> to vector<6x1xf32>
    %slice3A_38 = vector.extract_strided_slice %get3A_4 {offsets = [6, 0], sizes = [1, 128], strides = [1, 1]} : vector<8x128xf32> to vector<1x128xf32>
    %mul3A_39 = vector.broadcast %slice3A_37 : vector<6x1xf32> to vector<6x128xf32>
    %mul3A_40 = vector.broadcast %slice3A_38 : vector<1x128xf32> to vector<6x128xf32>
    %mul3A_41 = arith.mulf %mul3A_39, %mul3A_40 : vector<6x128xf32>
    %add3A_42 = arith.addf %add3A_36, %mul3A_41 : vector<6x128xf32>
    %slice3A_43 = vector.extract_strided_slice %get3A_1 {offsets = [0, 7], sizes = [6, 1], strides = [1, 1]} : vector<6x8xf32> to vector<6x1xf32>
    %slice3A_44 = vector.extract_strided_slice %get3A_4 {offsets = [7, 0], sizes = [1, 128], strides = [1, 1]} : vector<8x128xf32> to vector<1x128xf32>
    %mul3A_45 = vector.broadcast %slice3A_43 : vector<6x1xf32> to vector<6x128xf32>
    %mul3A_46 = vector.broadcast %slice3A_44 : vector<1x128xf32> to vector<6x128xf32>
    %mul3A_47 = arith.mulf %mul3A_45, %mul3A_46 : vector<6x128xf32>
    %add3A_48 = arith.addf %add3A_42, %mul3A_47 : vector<6x128xf32>
    %get3A_49 = arith.constant 0 : index
    %get3A_50 = arith.constant 0 : index
    %get3A_51 = vector.load %arg2[%get3A_49, %get3A_50] : memref<2000x6xf32, #tpu.memory_space<vmem>>, vector<2000x6xf32>
    %slice3A_52 = vector.extract_strided_slice %get3A_51 {offsets = [0, 0], sizes = [2000, 1], strides = [1, 1]} : vector<2000x6xf32> to vector<2000x1xf32>
    %slice3A_53 = vector.extract_strided_slice %add3A_48 {offsets = [0, 0], sizes = [1, 128], strides = [1, 1]} : vector<6x128xf32> to vector<1x128xf32>
    %mul3A_54 = vector.broadcast %slice3A_52 : vector<2000x1xf32> to vector<2000x128xf32>
    %mul3A_55 = vector.broadcast %slice3A_53 : vector<1x128xf32> to vector<2000x128xf32>
    %mul3A_56 = arith.mulf %mul3A_54, %mul3A_55 : vector<2000x128xf32>
    %slice3A_57 = vector.extract_strided_slice %get3A_51 {offsets = [0, 1], sizes = [2000, 1], strides = [1, 1]} : vector<2000x6xf32> to vector<2000x1xf32>
    %slice3A_58 = vector.extract_strided_slice %add3A_48 {offsets = [1, 0], sizes = [1, 128], strides = [1, 1]} : vector<6x128xf32> to vector<1x128xf32>
    %mul3A_59 = vector.broadcast %slice3A_57 : vector<2000x1xf32> to vector<2000x128xf32>
    %mul3A_60 = vector.broadcast %slice3A_58 : vector<1x128xf32> to vector<2000x128xf32>
    %mul3A_61 = arith.mulf %mul3A_59, %mul3A_60 : vector<2000x128xf32>
    %add3A_62 = arith.addf %mul3A_56, %mul3A_61 : vector<2000x128xf32>
    %slice3A_63 = vector.extract_strided_slice %get3A_51 {offsets = [0, 2], sizes = [2000, 1], strides = [1, 1]} : vector<2000x6xf32> to vector<2000x1xf32>
    %slice3A_64 = vector.extract_strided_slice %add3A_48 {offsets = [2, 0], sizes = [1, 128], strides = [1, 1]} : vector<6x128xf32> to vector<1x128xf32>
    %mul3A_65 = vector.broadcast %slice3A_63 : vector<2000x1xf32> to vector<2000x128xf32>
    %mul3A_66 = vector.broadcast %slice3A_64 : vector<1x128xf32> to vector<2000x128xf32>
    %mul3A_67 = arith.mulf %mul3A_65, %mul3A_66 : vector<2000x128xf32>
    %add3A_68 = arith.addf %add3A_62, %mul3A_67 : vector<2000x128xf32>
    %slice3A_69 = vector.extract_strided_slice %get3A_51 {offsets = [0, 3], sizes = [2000, 1], strides = [1, 1]} : vector<2000x6xf32> to vector<2000x1xf32>
    %slice3A_70 = vector.extract_strided_slice %add3A_48 {offsets = [3, 0], sizes = [1, 128], strides = [1, 1]} : vector<6x128xf32> to vector<1x128xf32>
    %mul3A_71 = vector.broadcast %slice3A_69 : vector<2000x1xf32> to vector<2000x128xf32>
    %mul3A_72 = vector.broadcast %slice3A_70 : vector<1x128xf32> to vector<2000x128xf32>
    %mul3A_73 = arith.mulf %mul3A_71, %mul3A_72 : vector<2000x128xf32>
    %add3A_74 = arith.addf %add3A_68, %mul3A_73 : vector<2000x128xf32>
    %slice3A_75 = vector.extract_strided_slice %get3A_51 {offsets = [0, 4], sizes = [2000, 1], strides = [1, 1]} : vector<2000x6xf32> to vector<2000x1xf32>
    %slice3A_76 = vector.extract_strided_slice %add3A_48 {offsets = [4, 0], sizes = [1, 128], strides = [1, 1]} : vector<6x128xf32> to vector<1x128xf32>
    %mul3A_77 = vector.broadcast %slice3A_75 : vector<2000x1xf32> to vector<2000x128xf32>
    %mul3A_78 = vector.broadcast %slice3A_76 : vector<1x128xf32> to vector<2000x128xf32>
    %mul3A_79 = arith.mulf %mul3A_77, %mul3A_78 : vector<2000x128xf32>
    %add3A_80 = arith.addf %add3A_74, %mul3A_79 : vector<2000x128xf32>
    %slice3A_81 = vector.extract_strided_slice %get3A_51 {offsets = [0, 5], sizes = [2000, 1], strides = [1, 1]} : vector<2000x6xf32> to vector<2000x1xf32>
    %slice3A_82 = vector.extract_strided_slice %add3A_48 {offsets = [5, 0], sizes = [1, 128], strides = [1, 1]} : vector<6x128xf32> to vector<1x128xf32>
    %mul3A_83 = vector.broadcast %slice3A_81 : vector<2000x1xf32> to vector<2000x128xf32>
    %mul3A_84 = vector.broadcast %slice3A_82 : vector<1x128xf32> to vector<2000x128xf32>
    %mul3A_85 = arith.mulf %mul3A_83, %mul3A_84 : vector<2000x128xf32>
    %add3A_86 = arith.addf %add3A_80, %mul3A_85 : vector<2000x128xf32>
    %get3A_87 = arith.constant 0 : index
    %get3A_88 = arith.constant 0 : index
    %get3A_89 = vector.load %arg1[%get3A_87, %get3A_88] : memref<2000x128xf32, #tpu.memory_space<vmem>>, vector<2000x128xf32>
    %mul3A_90 = arith.mulf %get3A_89, %add3A_86 : vector<2000x128xf32>
    %get3A_91 = arith.constant 0 : index
    %get3A_92 = arith.constant 0 : index
    %get3A_93 = vector.load %arg5[%get3A_91, %get3A_92] : memref<128x128xf32, #tpu.memory_space<vmem>>, vector<128x128xf32>
    %dot_general3A = arith.constant dense<0.000000e+00> : vector<2000x128xf32>
    %dot_general3A_94 = tpu.matmul %mul3A_90, %get3A_93, %dot_general3A {dimension_numbers = #tpu.dot_dimension_numbers<[1], [0], [0], [1], [0, 0, 1, 1], [], []>, transpose_lhs_hint = false} : vector<2000x128xf32>, vector<128x128xf32>, vector<2000x128xf32> -> vector<2000x128xf32>
    %get3A_95 = arith.constant 0 : index
    %get3A_96 = arith.constant 0 : index
    %get3A_97 = vector.load %arg6[%get3A_95, %get3A_96] : memref<1x128xf32, #tpu.memory_space<vmem>>, vector<1x128xf32>
    %add3A_98 = vector.broadcast %get3A_97 : vector<1x128xf32> to vector<2000x128xf32>
    %add3A_99 = arith.addf %dot_general3A_94, %add3A_98 : vector<2000x128xf32>
    %neg3A = arith.constant 0.000000e+00 : f32
    %neg3A_100 = vector.broadcast %neg3A : f32 to vector<2000x128xf32>
    %neg3A_101 = arith.subf %neg3A_100, %add3A_99 : vector<2000x128xf32>
    %exp3A = math.exp %neg3A_101 : vector<2000x128xf32>
    %add3A_102 = arith.constant 1.000000e+00 : f32
    %add3A_103 = vector.broadcast %add3A_102 : f32 to vector<2000x128xf32>
    %add3A_104 = arith.addf %add3A_103, %exp3A : vector<2000x128xf32>
    %div3A = arith.divf %add3A_99, %add3A_104 : vector<2000x128xf32>
    %swap3A = arith.constant 0 : index
    %swap3A_105 = arith.constant 0 : index
    %swap3A_106 = vector.load %arg7[%swap3A, %swap3A_105] : memref<2000x128xf32, #tpu.memory_space<vmem>>, vector<2000x128xf32>
    tpu.vector_store %arg7[%swap3A, %swap3A_105], %div3A {strides = array<i32>} : memref<2000x128xf32, #tpu.memory_space<vmem>>, vector<2000x128xf32>,
    return
  }
  func.func @transform_0(%arg0: i32) -> (i32, i32) {
    %c0_i32 = arith.constant 0 : i32
    %c0_i32_0 = arith.constant 0 : i32
    return %arg0, %c0_i32 : i32, i32
  }
  func.func @transform_1(%arg0: i32) -> (i32, i32) {
    %c0_i32 = arith.constant 0 : i32
    %c0_i32_0 = arith.constant 0 : i32
    return %arg0, %c0_i32 : i32, i32
  }
  func.func @transform_2(%arg0: i32) -> (i32, i32) {
    %c0_i32 = arith.constant 0 : i32
    %c0_i32_0 = arith.constant 0 : i32
    %c0_i32_1 = arith.constant 0 : i32
    return %c0_i32, %c0_i32_0 : i32, i32
  }
  func.func @transform_3(%arg0: i32) -> (i32, i32) {
    %c0_i32 = arith.constant 0 : i32
    %c0_i32_0 = arith.constant 0 : i32
    %c0_i32_1 = arith.constant 0 : i32
    return %c0_i32, %c0_i32_0 : i32, i32
  }
  func.func @transform_4(%arg0: i32) -> (i32, i32) {
    %c0_i32 = arith.constant 0 : i32
    %c0_i32_0 = arith.constant 0 : i32
    %c0_i32_1 = arith.constant 0 : i32
    return %c0_i32, %c0_i32_0 : i32, i32
  }
  func.func @transform_5(%arg0: i32) -> (i32, i32) {
    %c0_i32 = arith.constant 0 : i32
    %c0_i32_0 = arith.constant 0 : i32
    %c0_i32_1 = arith.constant 0 : i32
    return %c0_i32, %c0_i32_0 : i32, i32
  }
  func.func @transform_6(%arg0: i32) -> (i32, i32) {
    %c0_i32 = arith.constant 0 : i32
    %c0_i32_0 = arith.constant 0 : i32
    return %arg0, %c0_i32 : i32, i32
  }
}

module attributes {stable_mosaic.version = 14 : i64} {
  func.func @_tail_body(%arg0: i32, %arg1: memref<2x1000x128xf32, #tpu.memory_space<vmem>>, %arg2: memref<2x1000x128xf32, #tpu.memory_space<vmem>>, %arg3: memref<1000x128xf32, #tpu.memory_space<vmem>>, %arg4: memref<128x128xf32, #tpu.memory_space<vmem>>, %arg5: memref<1x128xf32, #tpu.memory_space<vmem>>, %arg6: memref<128x128xf32, #tpu.memory_space<vmem>>, %arg7: memref<1x128xf32, #tpu.memory_space<vmem>>, %arg8: memref<128x128xf32, #tpu.memory_space<vmem>>, %arg9: memref<1x128xf32, #tpu.memory_space<vmem>>, %arg10: memref<128x128xf32, #tpu.memory_space<vmem>>, %arg11: memref<1x128xf32, #tpu.memory_space<vmem>>, %arg12: memref<128x128xf32, #tpu.memory_space<vmem>>, %arg13: memref<1x128xf32, #tpu.memory_space<vmem>>, %arg14: memref<128x128xf32, #tpu.memory_space<vmem>>, %arg15: memref<1x128xf32, #tpu.memory_space<vmem>>, %arg16: memref<128x128xf32, #tpu.memory_space<vmem>>, %arg17: memref<1x128xf32, #tpu.memory_space<vmem>>, %arg18: memref<128x128xf32, #tpu.memory_space<vmem>>, %arg19: memref<1x128xf32, #tpu.memory_space<vmem>>, %arg20: memref<128x128xf32, #tpu.memory_space<vmem>>, %arg21: memref<1x128xf32, #tpu.memory_space<vmem>>, %arg22: memref<128x128xf32, #tpu.memory_space<vmem>>, %arg23: memref<1x128xf32, #tpu.memory_space<vmem>>, %arg24: memref<128x128xf32, #tpu.memory_space<vmem>>, %arg25: memref<1x128xf32, #tpu.memory_space<vmem>>, %arg26: memref<128x128xf32, #tpu.memory_space<vmem>>, %arg27: memref<1000x128xf32, #tpu.memory_space<vmem>>, %arg28: memref<1000x128xf32, #tpu.memory_space<vmem>>) attributes {dimension_semantics = [#tpu.dimension_semantics<arbitrary>], iteration_bounds = array<i64: 10>, scalar_prefetch = 0 : i64, scratch_operands = 0 : i64, tpu.core_type = #tpu.core_type<tc>, window_params = [{transform_indices = @transform_0, window_bounds = array<i64: 2, 1000, 128>}, {transform_indices = @transform_1, window_bounds = array<i64: 2, 1000, 128>}, {transform_indices = @transform_2, window_bounds = array<i64: 1000, 128>}, {pipeline_mode = #tpu.pipeline_mode<synchronous>, transform_indices = @transform_3, window_bounds = array<i64: 128, 128>}, {pipeline_mode = #tpu.pipeline_mode<synchronous>, transform_indices = @transform_4, window_bounds = array<i64: 1, 128>}, {pipeline_mode = #tpu.pipeline_mode<synchronous>, transform_indices = @transform_5, window_bounds = array<i64: 128, 128>}, {pipeline_mode = #tpu.pipeline_mode<synchronous>, transform_indices = @transform_6, window_bounds = array<i64: 1, 128>}, {pipeline_mode = #tpu.pipeline_mode<synchronous>, transform_indices = @transform_7, window_bounds = array<i64: 128, 128>}, {pipeline_mode = #tpu.pipeline_mode<synchronous>, transform_indices = @transform_8, window_bounds = array<i64: 1, 128>}, {pipeline_mode = #tpu.pipeline_mode<synchronous>, transform_indices = @transform_9, window_bounds = array<i64: 128, 128>}, {pipeline_mode = #tpu.pipeline_mode<synchronous>, transform_indices = @transform_10, window_bounds = array<i64: 1, 128>}, {pipeline_mode = #tpu.pipeline_mode<synchronous>, transform_indices = @transform_11, window_bounds = array<i64: 128, 128>}, {pipeline_mode = #tpu.pipeline_mode<synchronous>, transform_indices = @transform_12, window_bounds = array<i64: 1, 128>}, {pipeline_mode = #tpu.pipeline_mode<synchronous>, transform_indices = @transform_13, window_bounds = array<i64: 128, 128>}, {pipeline_mode = #tpu.pipeline_mode<synchronous>, transform_indices = @transform_14, window_bounds = array<i64: 1, 128>}, {pipeline_mode = #tpu.pipeline_mode<synchronous>, transform_indices = @transform_15, window_bounds = array<i64: 128, 128>}, {pipeline_mode = #tpu.pipeline_mode<synchronous>, transform_indices = @transform_16, window_bounds = array<i64: 1, 128>}, {pipeline_mode = #tpu.pipeline_mode<synchronous>, transform_indices = @transform_17, window_bounds = array<i64: 128, 128>}, {pipeline_mode = #tpu.pipeline_mode<synchronous>, transform_indices = @transform_18, window_bounds = array<i64: 1, 128>}, {pipeline_mode = #tpu.pipeline_mode<synchronous>, transform_indices = @transform_19, window_bounds = array<i64: 128, 128>}, {pipeline_mode = #tpu.pipeline_mode<synchronous>, transform_indices = @transform_20, window_bounds = array<i64: 1, 128>}, {pipeline_mode = #tpu.pipeline_mode<synchronous>, transform_indices = @transform_21, window_bounds = array<i64: 128, 128>}, {pipeline_mode = #tpu.pipeline_mode<synchronous>, transform_indices = @transform_22, window_bounds = array<i64: 1, 128>}, {pipeline_mode = #tpu.pipeline_mode<synchronous>, transform_indices = @transform_23, window_bounds = array<i64: 128, 128>}, {pipeline_mode = #tpu.pipeline_mode<synchronous>, transform_indices = @transform_24, window_bounds = array<i64: 1, 128>}, {pipeline_mode = #tpu.pipeline_mode<synchronous>, transform_indices = @transform_25, window_bounds = array<i64: 128, 128>}, {transform_indices = @transform_26, window_bounds = array<i64: 1000, 128>}, {transform_indices = @transform_27, window_bounds = array<i64: 1000, 128>}]} {
    %get3A = arith.constant 0 : index
    %get3A_0 = arith.constant 0 : index
    %get3A_1 = vector.load %arg3[%get3A, %get3A_0] : memref<1000x128xf32, #tpu.memory_space<vmem>>, vector<1000x128xf32>
    %get3A_2 = arith.constant 0 : index
    %get3A_3 = arith.constant 0 : index
    %get3A_4 = arith.constant 0 : index
    %get3A_5 = vector.load %arg1[%get3A_2, %get3A_3, %get3A_4] : memref<2x1000x128xf32, #tpu.memory_space<vmem>>, vector<1x1000x128xf32>
    %get3A_6 = vector.shape_cast %get3A_5 : vector<1x1000x128xf32> to vector<1000x128xf32>
    %get3A_7 = arith.constant 1 : index
    %get3A_8 = arith.constant 0 : index
    %get3A_9 = arith.constant 0 : index
    %get3A_10 = vector.load %arg1[%get3A_7, %get3A_8, %get3A_9] : memref<2x1000x128xf32, #tpu.memory_space<vmem>>, vector<1x1000x128xf32>
    %get3A_11 = vector.shape_cast %get3A_10 : vector<1x1000x128xf32> to vector<1000x128xf32>
    %add3A = arith.addf %get3A_6, %get3A_11 : vector<1000x128xf32>
    %get3A_12 = arith.constant 0 : index
    %get3A_13 = arith.constant 0 : index
    %get3A_14 = vector.load %arg4[%get3A_12, %get3A_13] : memref<128x128xf32, #tpu.memory_space<vmem>>, vector<128x128xf32>
    %dot_general3A = arith.constant dense<0.000000e+00> : vector<1000x128xf32>
    %dot_general3A_15 = tpu.matmul %add3A, %get3A_14, %dot_general3A {dimension_numbers = #tpu.dot_dimension_numbers<[1], [0], [0], [1], [0, 0, 1, 1], [], []>, transpose_lhs_hint = false} : vector<1000x128xf32>, vector<128x128xf32>, vector<1000x128xf32> -> vector<1000x128xf32>
    %get3A_16 = arith.constant 0 : index
    %get3A_17 = arith.constant 0 : index
    %get3A_18 = vector.load %arg5[%get3A_16, %get3A_17] : memref<1x128xf32, #tpu.memory_space<vmem>>, vector<1x128xf32>
    %add3A_19 = vector.broadcast %get3A_18 : vector<1x128xf32> to vector<1000x128xf32>
    %add3A_20 = arith.addf %dot_general3A_15, %add3A_19 : vector<1000x128xf32>
    %neg3A = arith.constant 0.000000e+00 : f32
    %neg3A_21 = vector.broadcast %neg3A : f32 to vector<1000x128xf32>
    %neg3A_22 = arith.subf %neg3A_21, %add3A_20 : vector<1000x128xf32>
    %exp3A = math.exp %neg3A_22 : vector<1000x128xf32>
    %add3A_23 = arith.constant 1.000000e+00 : f32
    %add3A_24 = vector.broadcast %add3A_23 : f32 to vector<1000x128xf32>
    %add3A_25 = arith.addf %add3A_24, %exp3A : vector<1000x128xf32>
    %div3A = arith.divf %add3A_20, %add3A_25 : vector<1000x128xf32>
    %get3A_26 = arith.constant 0 : index
    %get3A_27 = arith.constant 0 : index
    %get3A_28 = vector.load %arg6[%get3A_26, %get3A_27] : memref<128x128xf32, #tpu.memory_space<vmem>>, vector<128x128xf32>
    %dot_general3A_29 = arith.constant dense<0.000000e+00> : vector<1000x128xf32>
    %dot_general3A_30 = tpu.matmul %get3A_1, %get3A_28, %dot_general3A_29 {dimension_numbers = #tpu.dot_dimension_numbers<[1], [0], [0], [1], [0, 0, 1, 1], [], []>, transpose_lhs_hint = false} : vector<1000x128xf32>, vector<128x128xf32>, vector<1000x128xf32> -> vector<1000x128xf32>
    %get3A_31 = arith.constant 0 : index
    %get3A_32 = arith.constant 0 : index
    %get3A_33 = vector.load %arg7[%get3A_31, %get3A_32] : memref<1x128xf32, #tpu.memory_space<vmem>>, vector<1x128xf32>
    %add3A_34 = vector.broadcast %get3A_33 : vector<1x128xf32> to vector<1000x128xf32>
    %add3A_35 = arith.addf %dot_general3A_30, %add3A_34 : vector<1000x128xf32>
    %neg3A_36 = arith.constant 0.000000e+00 : f32
    %neg3A_37 = vector.broadcast %neg3A_36 : f32 to vector<1000x128xf32>
    %neg3A_38 = arith.subf %neg3A_37, %add3A_35 : vector<1000x128xf32>
    %exp3A_39 = math.exp %neg3A_38 : vector<1000x128xf32>
    %add3A_40 = arith.constant 1.000000e+00 : f32
    %add3A_41 = vector.broadcast %add3A_40 : f32 to vector<1000x128xf32>
    %add3A_42 = arith.addf %add3A_41, %exp3A_39 : vector<1000x128xf32>
    %div3A_43 = arith.divf %add3A_35, %add3A_42 : vector<1000x128xf32>
    %get3A_44 = arith.constant 0 : index
    %get3A_45 = arith.constant 0 : index
    %get3A_46 = arith.constant 0 : index
    %get3A_47 = vector.load %arg2[%get3A_44, %get3A_45, %get3A_46] : memref<2x1000x128xf32, #tpu.memory_space<vmem>>, vector<1x1000x128xf32>
    %get3A_48 = vector.shape_cast %get3A_47 : vector<1x1000x128xf32> to vector<1000x128xf32>
    %get3A_49 = arith.constant 1 : index
    %get3A_50 = arith.constant 0 : index
    %get3A_51 = arith.constant 0 : index
    %get3A_52 = vector.load %arg2[%get3A_49, %get3A_50, %get3A_51] : memref<2x1000x128xf32, #tpu.memory_space<vmem>>, vector<1x1000x128xf32>
    %get3A_53 = vector.shape_cast %get3A_52 : vector<1x1000x128xf32> to vector<1000x128xf32>
    %add3A_54 = arith.addf %get3A_48, %get3A_53 : vector<1000x128xf32>
    %get3A_55 = arith.constant 0 : index
    %get3A_56 = arith.constant 0 : index
    %get3A_57 = vector.load %arg8[%get3A_55, %get3A_56] : memref<128x128xf32, #tpu.memory_space<vmem>>, vector<128x128xf32>
    %dot_general3A_58 = arith.constant dense<0.000000e+00> : vector<1000x128xf32>
    %dot_general3A_59 = tpu.matmul %add3A_54, %get3A_57, %dot_general3A_58 {dimension_numbers = #tpu.dot_dimension_numbers<[1], [0], [0], [1], [0, 0, 1, 1], [], []>, transpose_lhs_hint = false} : vector<1000x128xf32>, vector<128x128xf32>, vector<1000x128xf32> -> vector<1000x128xf32>
    %get3A_60 = arith.constant 0 : index
    %get3A_61 = arith.constant 0 : index
    %get3A_62 = vector.load %arg9[%get3A_60, %get3A_61] : memref<1x128xf32, #tpu.memory_space<vmem>>, vector<1x128xf32>
    %add3A_63 = vector.broadcast %get3A_62 : vector<1x128xf32> to vector<1000x128xf32>
    %add3A_64 = arith.addf %dot_general3A_59, %add3A_63 : vector<1000x128xf32>
    %neg3A_65 = arith.constant 0.000000e+00 : f32
    %neg3A_66 = vector.broadcast %neg3A_65 : f32 to vector<1000x128xf32>
    %neg3A_67 = arith.subf %neg3A_66, %add3A_64 : vector<1000x128xf32>
    %exp3A_68 = math.exp %neg3A_67 : vector<1000x128xf32>
    %add3A_69 = arith.constant 1.000000e+00 : f32
    %add3A_70 = vector.broadcast %add3A_69 : f32 to vector<1000x128xf32>
    %add3A_71 = arith.addf %add3A_70, %exp3A_68 : vector<1000x128xf32>
    %div3A_72 = arith.divf %add3A_64, %add3A_71 : vector<1000x128xf32>
    %add3A_73 = arith.addf %div3A_72, %div3A_43 : vector<1000x128xf32>
    %get3A_74 = arith.constant 0 : index
    %get3A_75 = arith.constant 0 : index
    %get3A_76 = vector.load %arg10[%get3A_74, %get3A_75] : memref<128x128xf32, #tpu.memory_space<vmem>>, vector<128x128xf32>
    %dot_general3A_77 = arith.constant dense<0.000000e+00> : vector<1000x128xf32>
    %dot_general3A_78 = tpu.matmul %add3A_73, %get3A_76, %dot_general3A_77 {dimension_numbers = #tpu.dot_dimension_numbers<[1], [0], [0], [1], [0, 0, 1, 1], [], []>, transpose_lhs_hint = false} : vector<1000x128xf32>, vector<128x128xf32>, vector<1000x128xf32> -> vector<1000x128xf32>
    %get3A_79 = arith.constant 0 : index
    %get3A_80 = arith.constant 0 : index
    %get3A_81 = vector.load %arg11[%get3A_79, %get3A_80] : memref<1x128xf32, #tpu.memory_space<vmem>>, vector<1x128xf32>
    %add3A_82 = vector.broadcast %get3A_81 : vector<1x128xf32> to vector<1000x128xf32>
    %add3A_83 = arith.addf %dot_general3A_78, %add3A_82 : vector<1000x128xf32>
    %neg3A_84 = arith.constant 0.000000e+00 : f32
    %neg3A_85 = vector.broadcast %neg3A_84 : f32 to vector<1000x128xf32>
    %neg3A_86 = arith.subf %neg3A_85, %add3A_83 : vector<1000x128xf32>
    %exp3A_87 = math.exp %neg3A_86 : vector<1000x128xf32>
    %add3A_88 = arith.constant 1.000000e+00 : f32
    %add3A_89 = vector.broadcast %add3A_88 : f32 to vector<1000x128xf32>
    %add3A_90 = arith.addf %add3A_89, %exp3A_87 : vector<1000x128xf32>
    %div3A_91 = arith.divf %add3A_83, %add3A_90 : vector<1000x128xf32>
    %add3A_92 = arith.addf %div3A_91, %div3A : vector<1000x128xf32>
    %get3A_93 = arith.constant 0 : index
    %get3A_94 = arith.constant 0 : index
    %get3A_95 = vector.load %arg14[%get3A_93, %get3A_94] : memref<128x128xf32, #tpu.memory_space<vmem>>, vector<128x128xf32>
    %dot_general3A_96 = arith.constant dense<0.000000e+00> : vector<1000x128xf32>
    %dot_general3A_97 = tpu.matmul %add3A_92, %get3A_95, %dot_general3A_96 {dimension_numbers = #tpu.dot_dimension_numbers<[1], [0], [0], [1], [0, 0, 1, 1], [], []>, transpose_lhs_hint = false} : vector<1000x128xf32>, vector<128x128xf32>, vector<1000x128xf32> -> vector<1000x128xf32>
    %get3A_98 = arith.constant 0 : index
    %get3A_99 = arith.constant 0 : index
    %get3A_100 = vector.load %arg15[%get3A_98, %get3A_99] : memref<1x128xf32, #tpu.memory_space<vmem>>, vector<1x128xf32>
    %add3A_101 = vector.broadcast %get3A_100 : vector<1x128xf32> to vector<1000x128xf32>
    %add3A_102 = arith.addf %dot_general3A_97, %add3A_101 : vector<1000x128xf32>
    %neg3A_103 = arith.constant 0.000000e+00 : f32
    %neg3A_104 = vector.broadcast %neg3A_103 : f32 to vector<1000x128xf32>
    %neg3A_105 = arith.subf %neg3A_104, %add3A_102 : vector<1000x128xf32>
    %exp3A_106 = math.exp %neg3A_105 : vector<1000x128xf32>
    %add3A_107 = arith.constant 1.000000e+00 : f32
    %add3A_108 = vector.broadcast %add3A_107 : f32 to vector<1000x128xf32>
    %add3A_109 = arith.addf %add3A_108, %exp3A_106 : vector<1000x128xf32>
    %div3A_110 = arith.divf %add3A_102, %add3A_109 : vector<1000x128xf32>
    %get3A_111 = arith.constant 0 : index
    %get3A_112 = arith.constant 0 : index
    %get3A_113 = vector.load %arg16[%get3A_111, %get3A_112] : memref<128x128xf32, #tpu.memory_space<vmem>>, vector<128x128xf32>
    %dot_general3A_114 = arith.constant dense<0.000000e+00> : vector<1000x128xf32>
    %dot_general3A_115 = tpu.matmul %div3A_110, %get3A_113, %dot_general3A_114 {dimension_numbers = #tpu.dot_dimension_numbers<[1], [0], [0], [1], [0, 0, 1, 1], [], []>, transpose_lhs_hint = false} : vector<1000x128xf32>, vector<128x128xf32>, vector<1000x128xf32> -> vector<1000x128xf32>
    %get3A_116 = arith.constant 0 : index
    %get3A_117 = arith.constant 0 : index
    %get3A_118 = vector.load %arg17[%get3A_116, %get3A_117] : memref<1x128xf32, #tpu.memory_space<vmem>>, vector<1x128xf32>
    %add3A_119 = vector.broadcast %get3A_118 : vector<1x128xf32> to vector<1000x128xf32>
    %add3A_120 = arith.addf %dot_general3A_115, %add3A_119 : vector<1000x128xf32>
    %neg3A_121 = arith.constant 0.000000e+00 : f32
    %neg3A_122 = vector.broadcast %neg3A_121 : f32 to vector<1000x128xf32>
    %neg3A_123 = arith.subf %neg3A_122, %add3A_120 : vector<1000x128xf32>
    %exp3A_124 = math.exp %neg3A_123 : vector<1000x128xf32>
    %add3A_125 = arith.constant 1.000000e+00 : f32
    %add3A_126 = vector.broadcast %add3A_125 : f32 to vector<1000x128xf32>
    %add3A_127 = arith.addf %add3A_126, %exp3A_124 : vector<1000x128xf32>
    %div3A_128 = arith.divf %add3A_120, %add3A_127 : vector<1000x128xf32>
    %add3A_129 = arith.addf %add3A_92, %div3A_128 : vector<1000x128xf32>
    %get3A_130 = arith.constant 0 : index
    %get3A_131 = arith.constant 0 : index
    %get3A_132 = vector.load %arg12[%get3A_130, %get3A_131] : memref<128x128xf32, #tpu.memory_space<vmem>>, vector<128x128xf32>
    %dot_general3A_133 = arith.constant dense<0.000000e+00> : vector<1000x128xf32>
    %dot_general3A_134 = tpu.matmul %add3A_129, %get3A_132, %dot_general3A_133 {dimension_numbers = #tpu.dot_dimension_numbers<[1], [0], [0], [1], [0, 0, 1, 1], [], []>, transpose_lhs_hint = false} : vector<1000x128xf32>, vector<128x128xf32>, vector<1000x128xf32> -> vector<1000x128xf32>
    %get3A_135 = arith.constant 0 : index
    %get3A_136 = arith.constant 0 : index
    %get3A_137 = vector.load %arg13[%get3A_135, %get3A_136] : memref<1x128xf32, #tpu.memory_space<vmem>>, vector<1x128xf32>
    %add3A_138 = vector.broadcast %get3A_137 : vector<1x128xf32> to vector<1000x128xf32>
    %add3A_139 = arith.addf %dot_general3A_134, %add3A_138 : vector<1000x128xf32>
    %neg3A_140 = arith.constant 0.000000e+00 : f32
    %neg3A_141 = vector.broadcast %neg3A_140 : f32 to vector<1000x128xf32>
    %neg3A_142 = arith.subf %neg3A_141, %add3A_139 : vector<1000x128xf32>
    %exp3A_143 = math.exp %neg3A_142 : vector<1000x128xf32>
    %add3A_144 = arith.constant 1.000000e+00 : f32
    %add3A_145 = vector.broadcast %add3A_144 : f32 to vector<1000x128xf32>
    %add3A_146 = arith.addf %add3A_145, %exp3A_143 : vector<1000x128xf32>
    %div3A_147 = arith.divf %add3A_139, %add3A_146 : vector<1000x128xf32>
    %add3A_148 = arith.addf %div3A_147, %get3A_1 : vector<1000x128xf32>
    %get3A_149 = arith.constant 0 : index
    %get3A_150 = arith.constant 0 : index
    %get3A_151 = vector.load %arg18[%get3A_149, %get3A_150] : memref<128x128xf32, #tpu.memory_space<vmem>>, vector<128x128xf32>
    %dot_general3A_152 = arith.constant dense<0.000000e+00> : vector<1000x128xf32>
    %dot_general3A_153 = tpu.matmul %add3A_148, %get3A_151, %dot_general3A_152 {dimension_numbers = #tpu.dot_dimension_numbers<[1], [0], [0], [1], [0, 0, 1, 1], [], []>, transpose_lhs_hint = false} : vector<1000x128xf32>, vector<128x128xf32>, vector<1000x128xf32> -> vector<1000x128xf32>
    %get3A_154 = arith.constant 0 : index
    %get3A_155 = arith.constant 0 : index
    %get3A_156 = vector.load %arg19[%get3A_154, %get3A_155] : memref<1x128xf32, #tpu.memory_space<vmem>>, vector<1x128xf32>
    %add3A_157 = vector.broadcast %get3A_156 : vector<1x128xf32> to vector<1000x128xf32>
    %add3A_158 = arith.addf %dot_general3A_153, %add3A_157 : vector<1000x128xf32>
    %neg3A_159 = arith.constant 0.000000e+00 : f32
    %neg3A_160 = vector.broadcast %neg3A_159 : f32 to vector<1000x128xf32>
    %neg3A_161 = arith.subf %neg3A_160, %add3A_158 : vector<1000x128xf32>
    %exp3A_162 = math.exp %neg3A_161 : vector<1000x128xf32>
    %add3A_163 = arith.constant 1.000000e+00 : f32
    %add3A_164 = vector.broadcast %add3A_163 : f32 to vector<1000x128xf32>
    %add3A_165 = arith.addf %add3A_164, %exp3A_162 : vector<1000x128xf32>
    %div3A_166 = arith.divf %add3A_158, %add3A_165 : vector<1000x128xf32>
    %get3A_167 = arith.constant 0 : index
    %get3A_168 = arith.constant 0 : index
    %get3A_169 = vector.load %arg20[%get3A_167, %get3A_168] : memref<128x128xf32, #tpu.memory_space<vmem>>, vector<128x128xf32>
    %dot_general3A_170 = arith.constant dense<0.000000e+00> : vector<1000x128xf32>
    %dot_general3A_171 = tpu.matmul %div3A_166, %get3A_169, %dot_general3A_170 {dimension_numbers = #tpu.dot_dimension_numbers<[1], [0], [0], [1], [0, 0, 1, 1], [], []>, transpose_lhs_hint = false} : vector<1000x128xf32>, vector<128x128xf32>, vector<1000x128xf32> -> vector<1000x128xf32>
    %get3A_172 = arith.constant 0 : index
    %get3A_173 = arith.constant 0 : index
    %get3A_174 = vector.load %arg21[%get3A_172, %get3A_173] : memref<1x128xf32, #tpu.memory_space<vmem>>, vector<1x128xf32>
    %add3A_175 = vector.broadcast %get3A_174 : vector<1x128xf32> to vector<1000x128xf32>
    %add3A_176 = arith.addf %dot_general3A_171, %add3A_175 : vector<1000x128xf32>
    %neg3A_177 = arith.constant 0.000000e+00 : f32
    %neg3A_178 = vector.broadcast %neg3A_177 : f32 to vector<1000x128xf32>
    %neg3A_179 = arith.subf %neg3A_178, %add3A_176 : vector<1000x128xf32>
    %exp3A_180 = math.exp %neg3A_179 : vector<1000x128xf32>
    %add3A_181 = arith.constant 1.000000e+00 : f32
    %add3A_182 = vector.broadcast %add3A_181 : f32 to vector<1000x128xf32>
    %add3A_183 = arith.addf %add3A_182, %exp3A_180 : vector<1000x128xf32>
    %div3A_184 = arith.divf %add3A_176, %add3A_183 : vector<1000x128xf32>
    %add3A_185 = arith.addf %add3A_148, %div3A_184 : vector<1000x128xf32>
    %get3A_186 = arith.constant 0 : index
    %get3A_187 = arith.constant 0 : index
    %get3A_188 = vector.load %arg22[%get3A_186, %get3A_187] : memref<128x128xf32, #tpu.memory_space<vmem>>, vector<128x128xf32>
    %dot_general3A_189 = arith.constant dense<0.000000e+00> : vector<1000x128xf32>
    %dot_general3A_190 = tpu.matmul %add3A_185, %get3A_188, %dot_general3A_189 {dimension_numbers = #tpu.dot_dimension_numbers<[1], [0], [0], [1], [0, 0, 1, 1], [], []>, transpose_lhs_hint = false} : vector<1000x128xf32>, vector<128x128xf32>, vector<1000x128xf32> -> vector<1000x128xf32>
    %get3A_191 = arith.constant 0 : index
    %get3A_192 = arith.constant 0 : index
    %get3A_193 = vector.load %arg23[%get3A_191, %get3A_192] : memref<1x128xf32, #tpu.memory_space<vmem>>, vector<1x128xf32>
    %add3A_194 = vector.broadcast %get3A_193 : vector<1x128xf32> to vector<1000x128xf32>
    %add3A_195 = arith.addf %dot_general3A_190, %add3A_194 : vector<1000x128xf32>
    %neg3A_196 = arith.constant 0.000000e+00 : f32
    %neg3A_197 = vector.broadcast %neg3A_196 : f32 to vector<1000x128xf32>
    %neg3A_198 = arith.subf %neg3A_197, %add3A_195 : vector<1000x128xf32>
    %exp3A_199 = math.exp %neg3A_198 : vector<1000x128xf32>
    %add3A_200 = arith.constant 1.000000e+00 : f32
    %add3A_201 = vector.broadcast %add3A_200 : f32 to vector<1000x128xf32>
    %add3A_202 = arith.addf %add3A_201, %exp3A_199 : vector<1000x128xf32>
    %div3A_203 = arith.divf %add3A_195, %add3A_202 : vector<1000x128xf32>
    %get3A_204 = arith.constant 0 : index
    %get3A_205 = arith.constant 0 : index
    %get3A_206 = vector.load %arg24[%get3A_204, %get3A_205] : memref<128x128xf32, #tpu.memory_space<vmem>>, vector<128x128xf32>
    %dot_general3A_207 = arith.constant dense<0.000000e+00> : vector<1000x128xf32>
    %dot_general3A_208 = tpu.matmul %div3A_203, %get3A_206, %dot_general3A_207 {dimension_numbers = #tpu.dot_dimension_numbers<[1], [0], [0], [1], [0, 0, 1, 1], [], []>, transpose_lhs_hint = false} : vector<1000x128xf32>, vector<128x128xf32>, vector<1000x128xf32> -> vector<1000x128xf32>
    %get3A_209 = arith.constant 0 : index
    %get3A_210 = arith.constant 0 : index
    %get3A_211 = vector.load %arg25[%get3A_209, %get3A_210] : memref<1x128xf32, #tpu.memory_space<vmem>>, vector<1x128xf32>
    %add3A_212 = vector.broadcast %get3A_211 : vector<1x128xf32> to vector<1000x128xf32>
    %add3A_213 = arith.addf %dot_general3A_208, %add3A_212 : vector<1000x128xf32>
    %neg3A_214 = arith.constant 0.000000e+00 : f32
    %neg3A_215 = vector.broadcast %neg3A_214 : f32 to vector<1000x128xf32>
    %neg3A_216 = arith.subf %neg3A_215, %add3A_213 : vector<1000x128xf32>
    %exp3A_217 = math.exp %neg3A_216 : vector<1000x128xf32>
    %add3A_218 = arith.constant 1.000000e+00 : f32
    %add3A_219 = vector.broadcast %add3A_218 : f32 to vector<1000x128xf32>
    %add3A_220 = arith.addf %add3A_219, %exp3A_217 : vector<1000x128xf32>
    %div3A_221 = arith.divf %add3A_213, %add3A_220 : vector<1000x128xf32>
    %add3A_222 = arith.addf %add3A_185, %div3A_221 : vector<1000x128xf32>
    %swap3A = arith.constant 0 : index
    %swap3A_223 = arith.constant 0 : index
    %swap3A_224 = vector.load %arg27[%swap3A, %swap3A_223] : memref<1000x128xf32, #tpu.memory_space<vmem>>, vector<1000x128xf32>
    tpu.vector_store %arg27[%swap3A, %swap3A_223], %add3A_222 {strides = array<i32>} : memref<1000x128xf32, #tpu.memory_space<vmem>>, vector<1000x128xf32>,
    %get3A_225 = arith.constant 0 : index
    %get3A_226 = arith.constant 0 : index
    %get3A_227 = vector.load %arg26[%get3A_225, %get3A_226] : memref<128x128xf32, #tpu.memory_space<vmem>>, vector<128x128xf32>
    %dot_general3A_228 = arith.constant dense<0.000000e+00> : vector<1000x128xf32>
    %dot_general3A_229 = tpu.matmul %add3A_222, %get3A_227, %dot_general3A_228 {dimension_numbers = #tpu.dot_dimension_numbers<[1], [0], [0], [1], [0, 0, 1, 1], [], []>, transpose_lhs_hint = false} : vector<1000x128xf32>, vector<128x128xf32>, vector<1000x128xf32> -> vector<1000x128xf32>
    %swap3A_230 = arith.constant 0 : index
    %swap3A_231 = arith.constant 0 : index
    %swap3A_232 = vector.load %arg28[%swap3A_230, %swap3A_231] : memref<1000x128xf32, #tpu.memory_space<vmem>>, vector<1000x128xf32>
    tpu.vector_store %arg28[%swap3A_230, %swap3A_231], %dot_general3A_229 {strides = array<i32>} : memref<1000x128xf32, #tpu.memory_space<vmem>>, vector<1000x128xf32>,
    return
  }
  func.func @transform_0(%arg0: i32) -> (i32, i32, i32) {
    %c0_i32 = arith.constant 0 : i32
    %c0_i32_0 = arith.constant 0 : i32
    %c0_i32_1 = arith.constant 0 : i32
    return %c0_i32, %arg0, %c0_i32_0 : i32, i32, i32
  }
  func.func @transform_1(%arg0: i32) -> (i32, i32, i32) {
    %c0_i32 = arith.constant 0 : i32
    %c0_i32_0 = arith.constant 0 : i32
    %c0_i32_1 = arith.constant 0 : i32
    return %c0_i32, %arg0, %c0_i32_0 : i32, i32, i32
  }
  func.func @transform_2(%arg0: i32) -> (i32, i32) {
    %c0_i32 = arith.constant 0 : i32
    %c0_i32_0 = arith.constant 0 : i32
    return %arg0, %c0_i32 : i32, i32
  }
  func.func @transform_3(%arg0: i32) -> (i32, i32) {
    %c0_i32 = arith.constant 0 : i32
    %c0_i32_0 = arith.constant 0 : i32
    %c0_i32_1 = arith.constant 0 : i32
    return %c0_i32, %c0_i32_0 : i32, i32
  }
  func.func @transform_4(%arg0: i32) -> (i32, i32) {
    %c0_i32 = arith.constant 0 : i32
    %c0_i32_0 = arith.constant 0 : i32
    %c0_i32_1 = arith.constant 0 : i32
    return %c0_i32, %c0_i32_0 : i32, i32
  }
  func.func @transform_5(%arg0: i32) -> (i32, i32) {
    %c0_i32 = arith.constant 0 : i32
    %c0_i32_0 = arith.constant 0 : i32
    %c0_i32_1 = arith.constant 0 : i32
    return %c0_i32, %c0_i32_0 : i32, i32
  }
  func.func @transform_6(%arg0: i32) -> (i32, i32) {
    %c0_i32 = arith.constant 0 : i32
    %c0_i32_0 = arith.constant 0 : i32
    %c0_i32_1 = arith.constant 0 : i32
    return %c0_i32, %c0_i32_0 : i32, i32
  }
  func.func @transform_7(%arg0: i32) -> (i32, i32) {
    %c0_i32 = arith.constant 0 : i32
    %c0_i32_0 = arith.constant 0 : i32
    %c0_i32_1 = arith.constant 0 : i32
    return %c0_i32, %c0_i32_0 : i32, i32
  }
  func.func @transform_8(%arg0: i32) -> (i32, i32) {
    %c0_i32 = arith.constant 0 : i32
    %c0_i32_0 = arith.constant 0 : i32
    %c0_i32_1 = arith.constant 0 : i32
    return %c0_i32, %c0_i32_0 : i32, i32
  }
  func.func @transform_9(%arg0: i32) -> (i32, i32) {
    %c0_i32 = arith.constant 0 : i32
    %c0_i32_0 = arith.constant 0 : i32
    %c0_i32_1 = arith.constant 0 : i32
    return %c0_i32, %c0_i32_0 : i32, i32
  }
  func.func @transform_10(%arg0: i32) -> (i32, i32) {
    %c0_i32 = arith.constant 0 : i32
    %c0_i32_0 = arith.constant 0 : i32
    %c0_i32_1 = arith.constant 0 : i32
    return %c0_i32, %c0_i32_0 : i32, i32
  }
  func.func @transform_11(%arg0: i32) -> (i32, i32) {
    %c0_i32 = arith.constant 0 : i32
    %c0_i32_0 = arith.constant 0 : i32
    %c0_i32_1 = arith.constant 0 : i32
    return %c0_i32, %c0_i32_0 : i32, i32
  }
  func.func @transform_12(%arg0: i32) -> (i32, i32) {
    %c0_i32 = arith.constant 0 : i32
    %c0_i32_0 = arith.constant 0 : i32
    %c0_i32_1 = arith.constant 0 : i32
    return %c0_i32, %c0_i32_0 : i32, i32
  }
  func.func @transform_13(%arg0: i32) -> (i32, i32) {
    %c0_i32 = arith.constant 0 : i32
    %c0_i32_0 = arith.constant 0 : i32
    %c0_i32_1 = arith.constant 0 : i32
    return %c0_i32, %c0_i32_0 : i32, i32
  }
  func.func @transform_14(%arg0: i32) -> (i32, i32) {
    %c0_i32 = arith.constant 0 : i32
    %c0_i32_0 = arith.constant 0 : i32
    %c0_i32_1 = arith.constant 0 : i32
    return %c0_i32, %c0_i32_0 : i32, i32
  }
  func.func @transform_15(%arg0: i32) -> (i32, i32) {
    %c0_i32 = arith.constant 0 : i32
    %c0_i32_0 = arith.constant 0 : i32
    %c0_i32_1 = arith.constant 0 : i32
    return %c0_i32, %c0_i32_0 : i32, i32
  }
  func.func @transform_16(%arg0: i32) -> (i32, i32) {
    %c0_i32 = arith.constant 0 : i32
    %c0_i32_0 = arith.constant 0 : i32
    %c0_i32_1 = arith.constant 0 : i32
    return %c0_i32, %c0_i32_0 : i32, i32
  }
  func.func @transform_17(%arg0: i32) -> (i32, i32) {
    %c0_i32 = arith.constant 0 : i32
    %c0_i32_0 = arith.constant 0 : i32
    %c0_i32_1 = arith.constant 0 : i32
    return %c0_i32, %c0_i32_0 : i32, i32
  }
  func.func @transform_18(%arg0: i32) -> (i32, i32) {
    %c0_i32 = arith.constant 0 : i32
    %c0_i32_0 = arith.constant 0 : i32
    %c0_i32_1 = arith.constant 0 : i32
    return %c0_i32, %c0_i32_0 : i32, i32
  }
  func.func @transform_19(%arg0: i32) -> (i32, i32) {
    %c0_i32 = arith.constant 0 : i32
    %c0_i32_0 = arith.constant 0 : i32
    %c0_i32_1 = arith.constant 0 : i32
    return %c0_i32, %c0_i32_0 : i32, i32
  }
  func.func @transform_20(%arg0: i32) -> (i32, i32) {
    %c0_i32 = arith.constant 0 : i32
    %c0_i32_0 = arith.constant 0 : i32
    %c0_i32_1 = arith.constant 0 : i32
    return %c0_i32, %c0_i32_0 : i32, i32
  }
  func.func @transform_21(%arg0: i32) -> (i32, i32) {
    %c0_i32 = arith.constant 0 : i32
    %c0_i32_0 = arith.constant 0 : i32
    %c0_i32_1 = arith.constant 0 : i32
    return %c0_i32, %c0_i32_0 : i32, i32
  }
  func.func @transform_22(%arg0: i32) -> (i32, i32) {
    %c0_i32 = arith.constant 0 : i32
    %c0_i32_0 = arith.constant 0 : i32
    %c0_i32_1 = arith.constant 0 : i32
    return %c0_i32, %c0_i32_0 : i32, i32
  }
  func.func @transform_23(%arg0: i32) -> (i32, i32) {
    %c0_i32 = arith.constant 0 : i32
    %c0_i32_0 = arith.constant 0 : i32
    %c0_i32_1 = arith.constant 0 : i32
    return %c0_i32, %c0_i32_0 : i32, i32
  }
  func.func @transform_24(%arg0: i32) -> (i32, i32) {
    %c0_i32 = arith.constant 0 : i32
    %c0_i32_0 = arith.constant 0 : i32
    %c0_i32_1 = arith.constant 0 : i32
    return %c0_i32, %c0_i32_0 : i32, i32
  }
  func.func @transform_25(%arg0: i32) -> (i32, i32) {
    %c0_i32 = arith.constant 0 : i32
    %c0_i32_0 = arith.constant 0 : i32
    %c0_i32_1 = arith.constant 0 : i32
    return %c0_i32, %c0_i32_0 : i32, i32
  }
  func.func @transform_26(%arg0: i32) -> (i32, i32) {
    %c0_i32 = arith.constant 0 : i32
    %c0_i32_0 = arith.constant 0 : i32
    return %arg0, %c0_i32 : i32, i32
  }
  func.func @transform_27(%arg0: i32) -> (i32, i32) {
    %c0_i32 = arith.constant 0 : i32
    %c0_i32_0 = arith.constant 0 : i32
    return %arg0, %c0_i32 : i32, i32
  }
}

</mosaic_0001>

<sc_bundles>
// kernel: kernel.11.cloned.1.call-start
scs
__scs_entry_jumppad:
0x0: {  	(pc) =	sbr.rel $0x88, $3  }
0x1: {  	(tag) =	ssettag $0x0;
	lr =	simm.s32 $0x1  }
0x2: {  	[smem:$0x3F7F] =	sst lr;
	_ =	strace $0xD0000000  }
0x3: {  	_ = 	snop  }
0x4: {  	_ = 	snop  }
0x5: {  	_ = 	snop  }
0x6: {  	_ = 	snop  }
0x7: {  	_ = 	snop  }
__scs_overlays_trampoline_lowered:
0x8: {  	[smem:$0x3F8E] =	sst s0  }
0x9: {  	[smem:$0x3F8F] =	sst s1  }
0xa: {  	[smem:$0x3F90] =	sst s2  }
0xb: {  	[smem:$0x3F91] =	sst s3  }
0xc: {  	[smem:$0x3F92] =	sst s4  }
0xd: {  	[smem:$0x3F93] =	sst s5  }
0xe: {  	[smem:$0x3F94] =	sst s6  }
0xf: {  	[smem:$0x3F95] =	sst s7  }
0x10: {  	[smem:$0x3F96] =	sst s8  }
0x11: {  	[smem:$0x3F97] =	sst s9;
	s0 =	simm.s32 @!p0 $0x0  }
0x12: {  	s1 =	sld [smem:$0x3F7D];
	s0 =	simm.s32 @p0 $0x1  }
0x13: {  	[smem:$0x3F98] =	sst s0;
	s0 =	simm.s32 @!p1 $0x0  }
0x14: {  	s2 =	sld [smem:$0x3F7C];
	s0 =	simm.s32 @p1 $0x1  }
0x15: {  	[smem:$0x3F99] =	sst s0;
	s0 =	simm.s32 @!p2 $0x0  }
0x16: {  	s3 =	sld [smem:$0x3FDB];
	s0 =	simm.s32 @p2 $0x1  }
0x17: {  	s4 =	simm.s32 $0x1BF5;
	[smem:$0x3F9B] =	sst s0  }
0x18: {  	s0 =	sld [smem:$0x3F7E];
	_ =	swait.ge [sflag:s4], $0x0  }
0x19: {  	s7 =	sld [smem:$0x3F7F]  }
0x1a: {  	s8 =	sadd.s32 $0xFFFFE003, lr  }
0x1b: {  	s9 =	sadd.s32 $0xFFFFFEF7, lr;
	s5 =	simm.s32 $0xFFFFFFFF;
	p2 =	slt.u32 s8, $0xFFFFF086  }
0x1c: {  	p1 =	slt.u32 s9, $0xF7A;
	s5 =	simm.s32 @!p2 $0x0  }
0x1d: {  	s5 =	simm.s32 @p1 $0x1;
	p0 =	seq.s32 s7, s2  }
0x1e: {  	s7 =	smul.u32 @!p0 $0xF7A, s2;
	p2 =	seq.s32 @!p0 s5, $0x0  }
0x1f: {  	s9 =	smul.u32 $0xF7A, s1;
	s8 =	simm.s32 @!p0 $0x1BF5;
	p2 =	por !p2, p0  }
0x20: {  	[sflag:s8] =	ssyncset.s32 @!p0 $0xFFFFF086;
	s6 =	sadd.s32 @!p0 s3, s7;
	s7 =	simm.s32 @!p0 $0x108  }
0x21: {  	s3 =	sadd.s32 s3, s9;
	s6 =	sadd.s32 @!p0 $0x88, s6;
	s7 =	simm.s32 @p2 $0x1082  }
0x22: {  	[simem:s7], [sflag:s8] =	dma.local @!p0 [hbm:s6], $0xF7A  }
0x23: {  	s9 =	sor.u32 $0xD0000000, s2;
	s6 =	simm.s32 $0x108;
	_ =	swait.ge @!p0 [sflag:s8], $0x0  }
0x24: {  	s3 =	sadd.s32 $0x88, s3;
	s6 =	simm.s32 @!p1 $0x1082;
	[sflag:s4] =	ssyncset.s32 $0xFFFFF086  }
0x25: {  	[simem:s6], [sflag:s4] =	dma.local [hbm:s3], $0xF7A  }
0x26: {  	[smem:$0x3F7F] =	sst s1;
	(tag) =	ssettag s2;
	_ =	strace s9  }
0x27: {  	s1 =	sld [smem:$0x3F8F]  }
0x28: {  	s2 =	sld [smem:$0x3F90]  }
0x29: {  	s4 =	sld [smem:$0x3F92]  }
0x2a: {  	p0 =	seq.s32 s5, $0x0;
	s5 =	sld [smem:$0x3F93]  }
0x2b: {  	s6 =	sld [smem:$0x3F94]  }
0x2c: {  	s7 =	sld [smem:$0x3F95]  }
0x2d: {  	s3 =	simm.s32 $0x108;
	s8 =	sld [smem:$0x3F96]  }
0x2e: {  	s3 =	simm.s32 @!p0 $0x1082;
	s9 =	sld [smem:$0x3F97]  }
0x2f: {  	lr =	sadd.s32 s0, s3;
	s0 =	sld [smem:$0x3F8E]  }
0x30: {  	s3 =	sld [smem:$0x3F91]  }
0x31: {  	[smem:$0x3F9A] =	sst s10  }
0x32: {  	s10 =	sld [smem:$0x3F98];
	_ =	sdelay $0x3  }
0x33: {  	p0 =	seq.s32 s10, $0x1;
	s10 =	sld [smem:$0x3F9A];
	_ =	sdelay $0x3  }
0x34: {  	[smem:$0x3F9A] =	sst s10  }
0x35: {  	s10 =	sld [smem:$0x3F99];
	_ =	sdelay $0x3  }
0x36: {  	p1 =	seq.s32 s10, $0x1;
	s10 =	sld [smem:$0x3F9A];
	_ =	sdelay $0x3  }
0x37: {  	[smem:$0x3F9A] =	sst s10  }
0x38: {  	s10 =	sld [smem:$0x3F9B]  }
0x39: {  	_ = 	snop;
	(pc) =	sbr.ind lr, $3  }
0x3a: {  	_ = 	snop  }
0x3b: {  	_ = 	snop  }
0x3c: {  	p2 =	seq.s32 s10, $0x1;
	s10 =	sld [smem:$0x3F9A]  }
0x3d: {  	_ =	shalt  }
0x3e: {  	_ =	shalt  }
0x3f: {  	_ =	shalt  }
0x40: {  	_ =	shalt  }
0x41: {  	_ =	shalt  }
0x42: {  	_ =	shalt  }
0x43: {  	_ =	shalt  }
0x44: {  	_ =	shalt  }
0x45: {  	_ =	shalt  }
0x46: {  	_ =	shalt  }
0x47: {  	_ =	shalt  }
0x48: {  	_ =	shalt  }
0x49: {  	_ =	shalt  }
0x4a: {  	_ =	shalt  }
0x4b: {  	_ =	shalt  }
0x4c: {  	_ =	shalt  }
0x4d: {  	_ =	shalt  }
0x4e: {  	_ =	shalt  }
0x4f: {  	_ =	shalt  }
0x50: {  	_ =	shalt  }
0x51: {  	_ =	shalt  }
0x52: {  	_ =	shalt  }
0x53: {  	_ =	shalt  }
0x54: {  	_ =	shalt  }
0x55: {  	_ =	shalt  }
0x56: {  	_ =	shalt  }
0x57: {  	_ =	shalt  }
0x58: {  	_ =	shalt  }
0x59: {  	_ =	shalt  }
0x5a: {  	_ =	shalt  }
0x5b: {  	_ =	shalt  }
0x5c: {  	_ =	shalt  }
0x5d: {  	_ =	shalt  }
0x5e: {  	_ =	shalt  }
0x5f: {  	_ =	shalt  }
0x60: {  	_ =	shalt  }
0x61: {  	_ =	shalt  }
0x62: {  	_ =	shalt  }
0x63: {  	_ =	shalt  }
0x64: {  	_ =	shalt  }
0x65: {  	_ =	shalt  }
0x66: {  	_ =	shalt  }
0x67: {  	_ =	shalt  }
0x68: {  	_ =	shalt  }
0x69: {  	_ =	shalt  }
0x6a: {  	_ =	shalt  }
0x6b: {  	_ =	shalt  }
0x6c: {  	_ =	shalt  }
0x6d: {  	_ =	shalt  }
0x6e: {  	_ =	shalt  }
0x6f: {  	_ =	shalt  }
0x70: {  	_ =	shalt  }
0x71: {  	_ =	shalt  }
0x72: {  	_ =	shalt  }
0x73: {  	_ =	shalt  }
0x74: {  	_ =	shalt  }
0x75: {  	_ =	shalt  }
0x76: {  	_ =	shalt  }
0x77: {  	_ =	shalt  }
0x78: {  	_ =	shalt  }
0x79: {  	_ =	shalt  }
0x7a: {  	_ =	shalt  }
0x7b: {  	_ =	shalt  }
0x7c: {  	_ =	shalt  }
0x7d: {  	_ =	shalt  }
0x7e: {  	_ =	shalt  }
0x7f: {  	_ =	shalt  }
0x80: {  	_ =	shalt  }
0x81: {  	_ =	shalt  }
0x82: {  	_ =	shalt  }
0x83: {  	_ =	shalt  }
0x84: {  	_ =	shalt  }
0x85: {  	_ =	shalt  }
0x86: {  	_ =	shalt  }
0x87: {  	_ =	shalt  }
.Lfunc_end0:
.L_simem_size_0:
called_computation.1_lowered:
.L_overlay_start_0:
0x88: {  	s2 =	sld [smem:$0x3FD9]  }
0x89: {  	s3 =	sld [smem:$0x3FFE];
	_ =	sdelay $0x1  }
0x8a: {  	s1 =	srdreg.scid  }
0x8b: {  	s0 =	sand.u32 $0x1, s1  }
0x8c: {  	s14 =	sshll.u32 s0, $0xA;
	s2 =	sadd.s32 s3, s2  }
0x8d: {  	s2 =	sadd.s32 s2, s14  }
0x8e: {  	[smem:$0x3FA6] =	sst s2  }
0x8f: {  	_ = 	snop  }
0x90: {  	s2 =	sld [smem:$0x3FD0];
	_ =	sdelay $0x2  }
0x91: {  	s4 =	simm.s32 $0xB;
	s5 =	simm.s32 $0x10;
	s15 =	sld [smem:$0x3FC5]  }
0x92: {  	[smem:s5], [sflag:s4] =	dma.local [hbm:s2], $0x1  }
0x93: {  	_ =	swait.eq [sflag:s4], $0x1  }
0x94: {  	[sflag:s4] =	ssyncset.done $0x0  }
0x95: {  	[sflag:s4] =	ssyncadd.s32 $0xFFFFFFFF  }
0x96: {  	s16 =	sld [smem:$0x11];
	(tm) =	ssettm $0x1  }
0x97: {  	s17 =	sld [smem:$0x3FFB];
	_ =	sdelay $0x3  }
0x98: {  	_ =	strace s17  }
0x99: {  	s4 =	sld [smem:$0x3FFC];
	_ =	sdelay $0x3  }
0x9a: {  	_ =	strace s4  }
0x9b: {  	s4 =	sld [smem:$0x3FFD];
	_ =	sdelay $0x3  }
0x9c: {  	_ =	strace s4  }
0x9d: {  	_ =	strace $0x8FFFFFFF  }
0x9e: {  	s18 =	sld [smem:$0x3FDB];
	_ =	sdelay $0x1  }
0x9f: {  	s19 =	simm.s32 $_scs_section_size  }
0xa0: {  	s6 =	simm.s32 $_size__tile_overlayer_lowered;
	s7 =	simm.s32 $_tile_overlayer_lowered  }
0xa1: {  	s22 =	simm.s32 $0x1BFF;
	s21 =	sshll.u32 s7, $0x1;
	s4 =	sadd.s32 s19, s18  }
0xa2: {  	s8 =	simm.s32 $0x0;
	s20 =	sshll.u32 s6, $0x1;
	s6 =	sadd.s32 s21, s4  }
0xa3: {  	[timem:s8], [sflag:s22] =	dma.local [hbm:s6], s20  }
0xa4: {  	_ =	swait.ge [sflag:s22], s20  }
0xa5: {  	s5 =	ssub.s32 $0x0, s20;
	[sflag:s22] =	ssyncset.done $0x0  }
0xa6: {  	[sflag:s22] =	ssyncadd.s32 s5;
	_ =	sdelay $0x1  }
0xa7: {  	s23 =	simm.s32 $0x1B8B  }
0xa8: {  	_ =	swait.ge [sflag:s23], $0x1  }
0xa9: {  	[sflag:s23] =	ssyncset.done $0x0  }
0xaa: {  	s25 =	simm.s32 $0x1B8E;
	s24 =	sld [smem:$0x3FFE];
	[sflag:s23] =	ssyncadd.s32 $0xFFFFFFFF  }
0xab: {  	s26 =	simm.s32 $execute0_lowered;
	[smem:$0x3FD2] =	sst s25  }
0xac: {  	s6 =	sshll.u32 s26, $0x1;
	_ =	strace $0x80000046;
	[dreg:$0x1] =	wrdreg $0xFFFFFFFF  }
0xad: {  	s28 =	simm.s32 $_size_execute0_lowered;
	s4 =	sadd.s32 s4, s6;
	[dreg:$0x0] =	wrdreg $0x0  }
0xae: {  	s6 =	sshll.u32 s28, $0x1;
	[dreg:$0x2] =	wrdreg s4  }
0xaf: {  	[dreg:$0x3] =	wrdreg s6  }
0xb0: {  	[dreg:$0x4] =	wrdreg $0xC0  }
0xb1: {  	_ =	task [dreg:s8], $0x5FFFF  }
0xb2: {  	[dreg:$0x1] =	wrdreg $0xFFFFFFFF  }
0xb3: {  	[dreg:$0x0] =	wrdreg $0x60  }
0xb4: {  	[dreg:$0x2] =	wrdreg s16  }
0xb5: {  	[dreg:$0x3] =	wrdreg s15  }
0xb6: {  	[dreg:$0x4] =	wrdreg s24  }
0xb7: {  	[dreg:$0x5] =	wrdreg $0xA  }
0xb8: {  	_ =	task.clear_ibuf [dreg:s8], $0x6FFFF;
	_ =	strace $0x90000046  }
0xb9: {  	s29 =	simm.s32 $0xA;
	_ =	strace $0x80000048  }
0xba: {  	_ =	swait.ge [sflag:s29], $0x1  }
0xbb: {  	[sflag:s29] =	ssyncadd.s32 $0xFFFFFFFF  }
0xbc: {  	_ =	strace $0x90000048  }
0xbd: {  	_ =	sfence  }
0xbe: {  	s30 =	sld [smem:$0x0];
	_ =	sdelay $0x2  }
0xbf: {  	s31 =	sshll.u32 s1, $0xD;
	s1 =	sshrl.u32 s1, $0x2  }
0xc0: {  	s3 =	sand.u32 $0x4000, s31;
	s1 =	sadd.s32 s1, s30  }
0xc1: {  	s0 =	sor.u32 s3, s0;
	s1 =	sshll.u32 s1, $0x11  }
0xc2: {  	s0 =	sor.u32 s1, s0  }
0xc3: {  	s0 =	sadd.s32 $0x8F2B, s0  }
0xc4: {  	[sflag:s0] =	ssyncadd.remote.s32 $0x1  }
0xc5: {  	_ =	sfence.sel $0xFFFF  }
0xc6: {  	[dreg:$0x0] =	wrdreg $0xFFFFFFFF;
	(pc) =	sbr.abs _section_cstart, $3  }
0xc7: {  	[dreg:$0x1] =	wrdreg $0xFFFFFFFF  }
0xc8: {  	_ =	task.clear_ibuf [dreg:s8], $0x2FFFF;
	_ =	strace $0x9FFFFFFF  }
0xc9: {  	(tm) =	ssettm $0x7FFFFFFF  }
tec
execute0_lowered:
.L_overlay_start_1:
0x0: {  	(tag) =	ssettag $0x1  }
0x1: {  	s1 =	rddreg [dreg:$0x0]  }
0x2: {  	s4 =	rddreg [dreg:$0x1]  }
0x3: {  	s5 =	rddreg [dreg:$0x2]  }
0x4: {  	s0 =	rddreg [dreg:$0x3]  }
0x5: {  	s3 =	simm.s32 $0x0;
	s6 =	srdreg.scid;
	s2 =	stileid.u32  }
0x6: {  	s11 =	simm.s32 $0x2780;
	s12 =	simm.s32 $0x6780;
	s13 =	simm.s32 $0x1  }
0x7: {  	s14 =	simm.s32 $0x0;
	s6 =	sand.u32 $0x1, s6;
	s7 =	sshll.u32 s2, $0x1  }
0x8: {  	s8 =	smul.u32 $0x9E, s2;
	[smem:$0x7FF] =	sst s3;
	s10 =	sadd.s32 $0x5000, s5  }
0x9: {  	s7 =	sor.u32 s6, s7;
	s9 =	smul.u32 $0x4F, s6;
	s6 =	ssub.s32 $0x2, s6  }
0xa: {  	_ =	strace $0x80000047;
	s7 =	smul.u32 $0x4F, s7;
	s26 =	sshrl.u32 s6, $0x1  }
0xb: {  	s8 =	sadd.s32 s9, s8;
	s6 =	ssub.s32 s6, s26;
	s9 =	simm.s32 $0x2  }
0xc: {  	s28 =	smin.u32 s7, $0x975;
	s29 =	smin.u32 s8, $0x975;
	s6 =	smax.u32 s6, $0x1  }
0xd: {  	s30 =	sshll.u32 s28, $0x4;
	s5 =	sshll.u32 s28, $0xB;
	s7 =	sshll.u32 s29, $0xB  }
0xe: {  	s4 =	sadd.s32 s4, s30;
	s5 =	sadd.s32 s10, s5;
	s31 =	sadd.s32 s7, s10  }
0xf: {  	s10 =	simm.s32 $0x80;
	s7 =	sadd.s32 $0x800, s5;
	s8 =	sadd.s32 $0x1000, s31  }
.LBB2_1:
0x10: {  	[tilespmem:s3], [sflag:$0x2] =	stream.linear.gather [hbm4b:s4+s3], $0x2780, $0x38;
	[tilespmem:$0xA780] =	vst v63  }
0x11: {  	_ =	swait.ge [sflag:s9], $0x2780  }
0x12: {  	[sflag:s9] =	ssyncset.done $0x0  }
0x13: {  	[sflag:s9] =	ssyncadd.s32 $0xFFFFD880  }
0x14: {  	[tilespmem:s11], [sflag:$0x2] =	stream.indirect.gather [hbm4b:s1+s10], $0x80, s3, s10, $0xb8;
	[tilespmem:$0xA780] =	vst v63  }
0x15: {  	_ =	swait.ge [sflag:s9], $0x4000  }
0x16: {  	[sflag:s9] =	ssyncset.done $0x0  }
0x17: {  	[sflag:s9] =	ssyncadd.s32 $0xFFFFC000  }
0x18: {  	[hbm4b:s5+s3] =	stream.linear.scatter [tilespmem:s11], [sflag:$0x1], $0x4000, $0x38;
	[tilespmem:$0xA780] =	vst v63  }
0x19: {  	_ = 	snop  }
0x1a: {  	[tilespmem:s12], [sflag:$0x2] =	stream.indirect.gather [hbm4b:s1+s10], $0x80, s10, s10, $0xb8;
	[tilespmem:$0xA780] =	vst v63  }
0x1b: {  	_ =	swait.ge [sflag:s9], $0x4000  }
0x1c: {  	[sflag:s9] =	ssyncset.done $0x0  }
0x1d: {  	[sflag:s9] =	ssyncadd.s32 $0xFFFFC000  }
0x1e: {  	[hbm4b:s7+s3] =	stream.linear.scatter [tilespmem:s12], [sflag:$0x1], $0x4000, $0x38;
	[tilespmem:$0xA780] =	vst v63  }
0x1f: {  	s15 =	simm.s32 $0x8000;
	_ =	swait.ge [sflag:s13], $0x4000  }
0x20: {  	s15 =	sand.u32 $0x4000, s15;
	[sflag:s13] =	ssyncset.done $0x0  }
0x21: {  	s16 =	simm.s32 $0x100;
	s19 =	sor.u32 $0x2780, s15;
	[sflag:s13] =	ssyncadd.s32 $0xFFFFC000  }
0x22: {  	[tilespmem:s19], [sflag:$0x2] =	stream.indirect.gather [hbm4b:s1+s10], $0x80, s16, s10, $0xb8;
	[tilespmem:$0xA780] =	vst v63  }
0x23: {  	_ =	swait.ge [sflag:s9], $0x4000  }
0x24: {  	s17 =	simm.s32 $0x180;
	s18 =	smov.u32 s8;
	[sflag:s9] =	ssyncset.done $0x0  }
0x25: {  	s15 =	simm.s32 $0xC000;
	s16 =	sadd.s32 $0x800, s8;
	[sflag:s9] =	ssyncadd.s32 $0xFFFFC000  }
.LBB2_2:
0x26: {  	[hbm4b:s18+s3] =	stream.linear.scatter [tilespmem:s19], [sflag:$0x1], $0x4000, $0x38;
	[tilespmem:$0xA780] =	vst v63  }
0x27: {  	s19 =	smov.u32 s15;
	s18 =	smov.u32 s16  }
0x28: {  	p0 =	sne.s32 s15, $0x138000;
	s15 =	sadd.s32 $0x4000, s15;
	_ =	swait.ge [sflag:s13], $0x4000  }
0x29: {  	s19 =	sand.u32 $0x4000, s19;
	[sflag:s13] =	ssyncset.done $0x0  }
.Ltmp0:
0x2a: {  	s19 =	sor.u32 $0x2780, s19;
	[sflag:s13] =	ssyncadd.s32 $0xFFFFC000;
	(pc) =	sbr.rel @p0 .LBB2_2-.Ltmp0, $4  }
0x2b: {  	[tilespmem:s19], [sflag:$0x2] =	stream.indirect.gather [hbm4b:s1+s10], $0x80, s17, s10, $0xb8;
	[tilespmem:$0xA780] =	vst v63  }
0x2c: {  	_ =	swait.ge [sflag:s9], $0x4000  }
0x2d: {  	[sflag:s9] =	ssyncset.done $0x0  }
0x2e: {  	s16 =	sadd.s32 $0x800, s16;
	s17 =	sadd.s32 $0x80, s17;
	[sflag:s9] =	ssyncadd.s32 $0xFFFFC000  }
0x2f: {  	[hbm4b:s18+s3] =	stream.linear.scatter [tilespmem:s19], [sflag:$0x1], $0x4000, $0x38;
	[tilespmem:$0xA780] =	vst v63  }
0x30: {  	s14 =	sadd.s32 $0x1, s14  }
0x31: {  	_ =	swait.ge [sflag:s13], $0x4000;
	p0 =	sne.s32 s14, s6  }
.Ltmp1:
0x32: {  	[sflag:s13] =	ssyncset.done $0x0;
	(pc) =	sbr.rel @p0 .LBB2_1-.Ltmp1, $4  }
0x33: {  	[sflag:s13] =	ssyncadd.s32 $0xFFFFC000  }
0x34: {  	_ =	swait.ge [sflag:s13], $0x4000  }
0x35: {  	[sflag:s13] =	ssyncset.done $0x0  }
0x36: {  	[sflag:s13] =	ssyncadd.s32 $0xFFFFC000  }
0x37: {  	_ =	sfence.sel $0x180000  }
0x38: {  	[bflag:$0x0] =	sbarrier.arrive $0xFFFF  }
0x39: {  	p0 =	sne.s32 s2, $0x0;
	_ =	strace $0x90000047  }
0x3a: {  	s0 =	sadd.s32 @!p0 $0x100000, s0;
	[bflag:$0x2] =	sbarrier.arrive $0xFFFF  }
0x3b: {  	[sflag:s0] =	ssyncadd.tile.s32 @!p0 $0x1;
	_ =	shalt  }
.Lfunc_end2:
_tile_overlayer_lowered:
.L_overlay_start_2:
0x3c: {  	(tag) =	ssettag $0x2  }
0x3d: {  	s0 =	rddreg [dreg:$0x0];
	s2 =	stileid.u32  }
0x3e: {  	s1 =	rddreg [dreg:$0x1];
	p0 =	sne.s32 s2, $0x0  }
0x3f: {  	s3 =	rddreg [dreg:$0x2];
	[bflag:$0x3] =	sbarrier.arrive $0xFFFF;
	s2 =	simm.s32 @!p0 $0x1C02  }
0x40: {  	[timem:s3], [sflag:s2] =	dma.local @!p0 [hbm:s0], s1  }
0x41: {  	s0 =	simm.s32 @!p0 $0x2  }
0x42: {  	_ =	swait.ge @!p0 [sflag:s0], s1  }
0x43: {  	s1 =	ssub.s32 @!p0 $0x0, s1;
	[sflag:s0] =	ssyncset.done @!p0 $0x0  }
0x44: {  	[sflag:s0] =	ssyncadd.s32 @!p0 s1  }
0x45: {  	[bflag:$0x3] =	sbarrier.arrive $0xFFFF  }
0x46: {  	_ =	shalt  }

// kernel: kernel.14.cloned.1.call-start
scs
__scs_entry_jumppad:
0x0: {  	(pc) =	sbr.rel $0x88, $3  }
0x1: {  	(tag) =	ssettag $0x0;
	lr =	simm.s32 $0x1  }
0x2: {  	[smem:$0x3F7F] =	sst lr;
	_ =	strace $0xD0000000  }
0x3: {  	_ = 	snop  }
0x4: {  	_ = 	snop  }
0x5: {  	_ = 	snop  }
0x6: {  	_ = 	snop  }
0x7: {  	_ = 	snop  }
__scs_overlays_trampoline_lowered:
0x8: {  	[smem:$0x3F8E] =	sst s0  }
0x9: {  	[smem:$0x3F8F] =	sst s1  }
0xa: {  	[smem:$0x3F90] =	sst s2  }
0xb: {  	[smem:$0x3F91] =	sst s3  }
0xc: {  	[smem:$0x3F92] =	sst s4  }
0xd: {  	[smem:$0x3F93] =	sst s5  }
0xe: {  	[smem:$0x3F94] =	sst s6  }
0xf: {  	[smem:$0x3F95] =	sst s7  }
0x10: {  	[smem:$0x3F96] =	sst s8  }
0x11: {  	[smem:$0x3F97] =	sst s9;
	s0 =	simm.s32 @!p0 $0x0  }
0x12: {  	s1 =	sld [smem:$0x3F7D];
	s0 =	simm.s32 @p0 $0x1  }
0x13: {  	[smem:$0x3F98] =	sst s0;
	s0 =	simm.s32 @!p1 $0x0  }
0x14: {  	s2 =	sld [smem:$0x3F7C];
	s0 =	simm.s32 @p1 $0x1  }
0x15: {  	[smem:$0x3F99] =	sst s0;
	s0 =	simm.s32 @!p2 $0x0  }
0x16: {  	s3 =	sld [smem:$0x3FDB];
	s0 =	simm.s32 @p2 $0x1  }
0x17: {  	s4 =	simm.s32 $0x1BF5;
	[smem:$0x3F9B] =	sst s0  }
0x18: {  	s0 =	sld [smem:$0x3F7E];
	_ =	swait.ge [sflag:s4], $0x0  }
0x19: {  	s7 =	sld [smem:$0x3F7F]  }
0x1a: {  	s8 =	sadd.s32 $0xFFFFE003, lr  }
0x1b: {  	s9 =	sadd.s32 $0xFFFFFEF7, lr;
	s5 =	simm.s32 $0xFFFFFFFF;
	p2 =	slt.u32 s8, $0xFFFFF086  }
0x1c: {  	p1 =	slt.u32 s9, $0xF7A;
	s5 =	simm.s32 @!p2 $0x0  }
0x1d: {  	s5 =	simm.s32 @p1 $0x1;
	p0 =	seq.s32 s7, s2  }
0x1e: {  	s7 =	smul.u32 @!p0 $0xF7A, s2;
	p2 =	seq.s32 @!p0 s5, $0x0  }
0x1f: {  	s9 =	smul.u32 $0xF7A, s1;
	s8 =	simm.s32 @!p0 $0x1BF5;
	p2 =	por !p2, p0  }
0x20: {  	[sflag:s8] =	ssyncset.s32 @!p0 $0xFFFFF086;
	s6 =	sadd.s32 @!p0 s3, s7;
	s7 =	simm.s32 @!p0 $0x108  }
0x21: {  	s3 =	sadd.s32 s3, s9;
	s6 =	sadd.s32 @!p0 $0x88, s6;
	s7 =	simm.s32 @p2 $0x1082  }
0x22: {  	[simem:s7], [sflag:s8] =	dma.local @!p0 [hbm:s6], $0xF7A  }
0x23: {  	s9 =	sor.u32 $0xD0000000, s2;
	s6 =	simm.s32 $0x108;
	_ =	swait.ge @!p0 [sflag:s8], $0x0  }
0x24: {  	s3 =	sadd.s32 $0x88, s3;
	s6 =	simm.s32 @!p1 $0x1082;
	[sflag:s4] =	ssyncset.s32 $0xFFFFF086  }
0x25: {  	[simem:s6], [sflag:s4] =	dma.local [hbm:s3], $0xF7A  }
0x26: {  	[smem:$0x3F7F] =	sst s1;
	(tag) =	ssettag s2;
	_ =	strace s9  }
0x27: {  	s1 =	sld [smem:$0x3F8F]  }
0x28: {  	s2 =	sld [smem:$0x3F90]  }
0x29: {  	s4 =	sld [smem:$0x3F92]  }
0x2a: {  	p0 =	seq.s32 s5, $0x0;
	s5 =	sld [smem:$0x3F93]  }
0x2b: {  	s6 =	sld [smem:$0x3F94]  }
0x2c: {  	s7 =	sld [smem:$0x3F95]  }
0x2d: {  	s3 =	simm.s32 $0x108;
	s8 =	sld [smem:$0x3F96]  }
0x2e: {  	s3 =	simm.s32 @!p0 $0x1082;
	s9 =	sld [smem:$0x3F97]  }
0x2f: {  	lr =	sadd.s32 s0, s3;
	s0 =	sld [smem:$0x3F8E]  }
0x30: {  	s3 =	sld [smem:$0x3F91]  }
0x31: {  	[smem:$0x3F9A] =	sst s10  }
0x32: {  	s10 =	sld [smem:$0x3F98];
	_ =	sdelay $0x3  }
0x33: {  	p0 =	seq.s32 s10, $0x1;
	s10 =	sld [smem:$0x3F9A];
	_ =	sdelay $0x3  }
0x34: {  	[smem:$0x3F9A] =	sst s10  }
0x35: {  	s10 =	sld [smem:$0x3F99];
	_ =	sdelay $0x3  }
0x36: {  	p1 =	seq.s32 s10, $0x1;
	s10 =	sld [smem:$0x3F9A];
	_ =	sdelay $0x3  }
0x37: {  	[smem:$0x3F9A] =	sst s10  }
0x38: {  	s10 =	sld [smem:$0x3F9B]  }
0x39: {  	_ = 	snop;
	(pc) =	sbr.ind lr, $3  }
0x3a: {  	_ = 	snop  }
0x3b: {  	_ = 	snop  }
0x3c: {  	p2 =	seq.s32 s10, $0x1;
	s10 =	sld [smem:$0x3F9A]  }
0x3d: {  	_ =	shalt  }
0x3e: {  	_ =	shalt  }
0x3f: {  	_ =	shalt  }
0x40: {  	_ =	shalt  }
0x41: {  	_ =	shalt  }
0x42: {  	_ =	shalt  }
0x43: {  	_ =	shalt  }
0x44: {  	_ =	shalt  }
0x45: {  	_ =	shalt  }
0x46: {  	_ =	shalt  }
0x47: {  	_ =	shalt  }
0x48: {  	_ =	shalt  }
0x49: {  	_ =	shalt  }
0x4a: {  	_ =	shalt  }
0x4b: {  	_ =	shalt  }
0x4c: {  	_ =	shalt  }
0x4d: {  	_ =	shalt  }
0x4e: {  	_ =	shalt  }
0x4f: {  	_ =	shalt  }
0x50: {  	_ =	shalt  }
0x51: {  	_ =	shalt  }
0x52: {  	_ =	shalt  }
0x53: {  	_ =	shalt  }
0x54: {  	_ =	shalt  }
0x55: {  	_ =	shalt  }
0x56: {  	_ =	shalt  }
0x57: {  	_ =	shalt  }
0x58: {  	_ =	shalt  }
0x59: {  	_ =	shalt  }
0x5a: {  	_ =	shalt  }
0x5b: {  	_ =	shalt  }
0x5c: {  	_ =	shalt  }
0x5d: {  	_ =	shalt  }
0x5e: {  	_ =	shalt  }
0x5f: {  	_ =	shalt  }
0x60: {  	_ =	shalt  }
0x61: {  	_ =	shalt  }
0x62: {  	_ =	shalt  }
0x63: {  	_ =	shalt  }
0x64: {  	_ =	shalt  }
0x65: {  	_ =	shalt  }
0x66: {  	_ =	shalt  }
0x67: {  	_ =	shalt  }
0x68: {  	_ =	shalt  }
0x69: {  	_ =	shalt  }
0x6a: {  	_ =	shalt  }
0x6b: {  	_ =	shalt  }
0x6c: {  	_ =	shalt  }
0x6d: {  	_ =	shalt  }
0x6e: {  	_ =	shalt  }
0x6f: {  	_ =	shalt  }
0x70: {  	_ =	shalt  }
0x71: {  	_ =	shalt  }
0x72: {  	_ =	shalt  }
0x73: {  	_ =	shalt  }
0x74: {  	_ =	shalt  }
0x75: {  	_ =	shalt  }
0x76: {  	_ =	shalt  }
0x77: {  	_ =	shalt  }
0x78: {  	_ =	shalt  }
0x79: {  	_ =	shalt  }
0x7a: {  	_ =	shalt  }
0x7b: {  	_ =	shalt  }
0x7c: {  	_ =	shalt  }
0x7d: {  	_ =	shalt  }
0x7e: {  	_ =	shalt  }
0x7f: {  	_ =	shalt  }
0x80: {  	_ =	shalt  }
0x81: {  	_ =	shalt  }
0x82: {  	_ =	shalt  }
0x83: {  	_ =	shalt  }
0x84: {  	_ =	shalt  }
0x85: {  	_ =	shalt  }
0x86: {  	_ =	shalt  }
0x87: {  	_ =	shalt  }
.Lfunc_end0:
.L_simem_size_0:
called_computation.2_lowered:
.L_overlay_start_0:
0x88: {  	s2 =	sld [smem:$0x3FD9]  }
0x89: {  	s3 =	sld [smem:$0x3FFE];
	_ =	sdelay $0x1  }
0x8a: {  	s1 =	srdreg.scid  }
0x8b: {  	s0 =	sand.u32 $0x1, s1  }
0x8c: {  	s15 =	sshll.u32 s0, $0xA;
	s2 =	sadd.s32 s3, s2  }
0x8d: {  	s2 =	sadd.s32 s2, s15  }
0x8e: {  	[smem:$0x3FA6] =	sst s2  }
0x8f: {  	_ = 	snop  }
0x90: {  	s16 =	sld [smem:$0x3FD0];
	_ =	sdelay $0x2  }
0x91: {  	s4 =	simm.s32 $0xB;
	s5 =	simm.s32 $0x10;
	s2 =	sld [smem:$0x3FC5]  }
0x92: {  	[smem:s5], [sflag:s4] =	dma.local [hbm:s16], $0x1  }
0x93: {  	_ =	swait.eq [sflag:s4], $0x1  }
0x94: {  	[sflag:s4] =	ssyncset.done $0x0  }
0x95: {  	[sflag:s4] =	ssyncadd.s32 $0xFFFFFFFF  }
0x96: {  	s17 =	sld [smem:$0x10];
	(tm) =	ssettm $0x1  }
0x97: {  	s18 =	sld [smem:$0x3FFB];
	_ =	sdelay $0x3  }
0x98: {  	_ =	strace s18  }
0x99: {  	s3 =	sld [smem:$0x3FFC];
	_ =	sdelay $0x3  }
0x9a: {  	_ =	strace s3  }
0x9b: {  	s3 =	sld [smem:$0x3FFD];
	_ =	sdelay $0x3  }
0x9c: {  	_ =	strace s3  }
0x9d: {  	_ =	strace $0x8FFFFFFF  }
0x9e: {  	s19 =	sld [smem:$0x3FDB];
	_ =	sdelay $0x1  }
0x9f: {  	s20 =	simm.s32 $_scs_section_size  }
0xa0: {  	s6 =	simm.s32 $_size__tile_overlayer_lowered;
	s7 =	simm.s32 $_tile_overlayer_lowered  }
0xa1: {  	s8 =	simm.s32 $0x1BFF;
	s21 =	sshll.u32 s7, $0x1;
	s5 =	sadd.s32 s20, s19  }
0xa2: {  	s22 =	simm.s32 $0x0;
	s6 =	sshll.u32 s6, $0x1;
	s7 =	sadd.s32 s21, s5  }
0xa3: {  	[timem:s22], [sflag:s8] =	dma.local [hbm:s7], s6  }
0xa4: {  	_ =	swait.ge [sflag:s8], s6  }
0xa5: {  	s6 =	ssub.s32 $0x0, s6;
	[sflag:s8] =	ssyncset.done $0x0  }
0xa6: {  	[sflag:s8] =	ssyncadd.s32 s6;
	_ =	sdelay $0x1  }
0xa7: {  	s23 =	simm.s32 $0x1B8B  }
0xa8: {  	_ =	swait.ge [sflag:s23], $0x1  }
0xa9: {  	[sflag:s23] =	ssyncset.done $0x0  }
0xaa: {  	[sflag:s23] =	ssyncadd.s32 $0xFFFFFFFF  }
0xab: {  	s6 =	sld [smem:$0x0]  }
0xac: {  	s7 =	sand.u32 $0xFFFFFFFE, s1  }
0xad: {  	p0 =	sne.s32 s1, s7  }
0xae: {  	s7 =	sshll.u32 @p0 s7, $0xE  }
0xaf: {  	s7 =	sadd.s32 @p0 $0x11B8D, s7;
	s8 =	sshll.u32 @p0 s6, $0x11  }
0xb0: {  	s7 =	sor.u32 @p0 s8, s7  }
0xb1: {  	[sflag:s7] =	ssyncadd.remote.s32 @p0 $0x1;
	_ =	sdelay $0x1  }
0xb2: {  	s7 =	simm.s32 @p0 $0x1B8D  }
0xb3: {  	_ =	swait.eq @p0 [sflag:s7], $0x1  }
0xb4: {  	[sflag:s7] =	ssyncadd.s32 @p0 $0xFFFFFFFF  }
0xb5: {  	s8 =	sshll.u32 @!p0 s1, $0xE  }
0xb6: {  	s8 =	sor.u32 @!p0 $0x4000, s8;
	s7 =	simm.s32 @!p0 $0x1B8D  }
0xb7: {  	s6 =	sshll.u32 @!p0 s6, $0x11;
	s8 =	sadd.s32 @!p0 $0x11B8D, s8;
	_ =	swait.eq @!p0 [sflag:s7], $0x1  }
0xb8: {  	s6 =	sor.u32 @!p0 s6, s8;
	[sflag:s7] =	ssyncadd.s32 @!p0 $0xFFFFFFFF  }
0xb9: {  	s25 =	simm.s32 $0x1B8E;
	s24 =	sld [smem:$0x3FFE];
	[sflag:s6] =	ssyncadd.remote.s32 @!p0 $0x1  }
0xba: {  	s26 =	simm.s32 $execute0_lowered;
	[smem:$0x3FD2] =	sst s25  }
0xbb: {  	s7 =	sshll.u32 s26, $0x1;
	_ =	strace $0x8000004C;
	[dreg:$0x1] =	wrdreg $0xFFFFFFFF  }
0xbc: {  	s28 =	simm.s32 $_size_execute0_lowered;
	s5 =	sadd.s32 s5, s7;
	[dreg:$0x0] =	wrdreg $0x0  }
0xbd: {  	s7 =	sshll.u32 s28, $0x1;
	[dreg:$0x2] =	wrdreg s5  }
0xbe: {  	[dreg:$0x3] =	wrdreg s7  }
0xbf: {  	[dreg:$0x4] =	wrdreg $0xC0  }
0xc0: {  	_ =	task [dreg:s22], $0x5FFFF  }
0xc1: {  	[dreg:$0x1] =	wrdreg $0xFFFFFFFF  }
0xc2: {  	[dreg:$0x0] =	wrdreg $0x60  }
0xc3: {  	[dreg:$0x2] =	wrdreg s24  }
0xc4: {  	[dreg:$0x3] =	wrdreg s2  }
0xc5: {  	[dreg:$0x4] =	wrdreg s17  }
0xc6: {  	[dreg:$0x5] =	wrdreg $0x81000  }
0xc7: {  	[dreg:$0x6] =	wrdreg $0xA  }
0xc8: {  	_ =	task.clear_ibuf [dreg:s22], $0x7FFFF;
	_ =	strace $0x9000004C  }
0xc9: {  	s29 =	simm.s32 $0xA;
	_ =	strace $0x8000004E  }
0xca: {  	_ =	swait.ge [sflag:s29], $0x1  }
0xcb: {  	[sflag:s29] =	ssyncadd.s32 $0xFFFFFFFF  }
0xcc: {  	_ =	strace $0x9000004E  }
0xcd: {  	_ =	sfence  }
0xce: {  	s30 =	sld [smem:$0x0];
	_ =	sdelay $0x2  }
0xcf: {  	s31 =	sshll.u32 s1, $0xD;
	s1 =	sshrl.u32 s1, $0x2  }
0xd0: {  	s4 =	sand.u32 $0x4000, s31;
	s1 =	sadd.s32 s1, s30  }
0xd1: {  	s0 =	sor.u32 s4, s0;
	s1 =	sshll.u32 s1, $0x11  }
0xd2: {  	s0 =	sor.u32 s1, s0  }
0xd3: {  	s0 =	sadd.s32 $0x8F2B, s0  }
0xd4: {  	[sflag:s0] =	ssyncadd.remote.s32 $0x1  }
0xd5: {  	_ =	sfence.sel $0xFFFF  }
0xd6: {  	[dreg:$0x0] =	wrdreg $0xFFFFFFFF;
	(pc) =	sbr.abs _section_cstart, $3  }
0xd7: {  	[dreg:$0x1] =	wrdreg $0xFFFFFFFF  }
0xd8: {  	_ =	task.clear_ibuf [dreg:s22], $0x2FFFF;
	_ =	strace $0x9FFFFFFF  }
0xd9: {  	(tm) =	ssettm $0x7FFFFFFF  }
tec
execute0_lowered:
.L_overlay_start_1:
0x0: {  	(tag) =	ssettag $0x1  }
0x1: {  	s4 =	rddreg [dreg:$0x0]  }
0x2: {  	s12 =	rddreg [dreg:$0x1]  }
0x3: {  	s1 =	rddreg [dreg:$0x2]  }
0x4: {  	s2 =	rddreg [dreg:$0x3]  }
0x5: {  	s0 =	rddreg [dreg:$0x4];
	s3 =	simm.s32 $0x0;
	s5 =	srdreg.scid  }
0x6: {  	s13 =	stileid.u32;
	s19 =	simm.s32 $0x0;
	[smem:$0x7FF] =	sst s3  }
0x7: {  	s5 =	sand.u32 $0x1, s5;
	s6 =	sshll.u32 s13, $0x1;
	s7 =	smul.u32 $0x4E000, s13  }
0x8: {  	s11 =	sadd.s32 $0xA17200, s4;
	s9 =	sadd.s32 $0x5000, s4;
	p0 =	slt.u32 s13, $0x2  }
0x9: {  	s29 =	sshll.u32 s13, $0x6;
	s31 =	smul.u32 $0x13800, s13;
	s16 =	sadd.s32 $0x138000, s2  }
0xa: {  	_ =	strace $0x8000004D;
	s6 =	sor.u32 s5, s6;
	s28 =	smul.u32 $0x138800, s5  }
0xb: {  	s25 =	ssub.s32 $0x2, s5;
	s4 =	sor.u32 $0x1C02, s29;
	s8 =	smul.u32 $0x4E, s6  }
0xc: {  	s6 =	smul.u32 $0x4F, s6;
	s10 =	sshrl.u32 s25, $0x1;
	s26 =	sshrl.u32 s7, $0x2  }
0xd: {  	s10 =	ssub.s32 s25, s10;
	s7 =	sadd.s32 s31, s28;
	s8 =	sadd.s32 $0x4, s8  }
0xe: {  	s7 =	sshrl.u32 s7, $0x3;
	s8 =	smov.u32 @p0 s6;
	s6 =	sshrl.u32 s28, $0x3  }
0xf: {  	s7 =	sadd.s32 s9, s7;
	s15 =	sshll.u32 s8, $0x4;
	s17 =	sshll.u32 s8, $0xB  }
0x10: {  	s18 =	sadd.s32 s9, s6;
	s9 =	smax.u32 s10, $0x1;
	s10 =	simm.s32 $0x4E  }
0x11: {  	s14 =	sadd.s32 s26, s2;
	s30 =	sand.u32 $0x1FFFFFF0, s15;
	s8 =	sand.u32 $0x1FFFF800, s17  }
0x12: {  	s10 =	simm.s32 @!p0 $0x4D;
	p0 =	sne.s32 s13, $0x0;
	s13 =	sshrl.u32 s14, $0x3  }
0x13: {  	s14 =	simm.s32 $0x2;
	s5 =	sadd.s32 s12, s30;
	s6 =	sadd.s32 s11, s8  }
0x14: {  	s8 =	sadd.s32 $0x27000, s18;
	s11 =	sadd.s32 s17, s11;
	s12 =	sadd.s32 s15, s12  }
0x15: {  	s15 =	sshrl.u32 @!p0 s16, $0x3;
	s16 =	simm.s32 $0x100;
	s17 =	simm.s32 $0x1  }
0x16: {  	s18 =	simm.s32 $0x80;
	s11 =	sadd.s32 $0x800, s11;
	s12 =	sadd.s32 $0x10, s12  }
.LBB2_1:
0x17: {  	[spmem:s13], [sflag:s4] =	dma.local [hbm:s1], $0x2700  }
0x18: {  	_ =	swait.ge [sflag:s14], $0x2700  }
0x19: {  	[sflag:s14] =	ssyncset.done $0x0  }
0x1a: {  	s20 =	simm.s32 @!p0 $0x2;
	[sflag:s14] =	ssyncadd.s32 $0xFFFFD900  }
0x1b: {  	[spmem:s15], [sflag:s4] =	dma.local @!p0 [hbm:s1], $0x100  }
0x1c: {  	_ =	swait.ge @!p0 [sflag:s20], $0x100  }
0x1d: {  	[sflag:s20] =	ssyncset.done @!p0 $0x0  }
0x1e: {  	[sflag:s20] =	ssyncadd.s32 @!p0 $0xFFFFFF00  }
0x1f: {  	[bflag:$0x0] =	sbarrier.arrive $0xFFFF  }
0x20: {  	[tilespmem:s3], [sflag:$0x1] =	stream.linear.gather [hbm4b:s5+s3], $0x80, $0x38;
	[tilespmem:$0x1B980] =	vst v63  }
0x21: {  	_ = 	snop  }
0x22: {  	[tilespmem:s16], [sflag:$0x1] =	stream.linear.gather [hbm4b:s6+s3], $0x4000, $0x38;
	[tilespmem:$0x1B980] =	vst v63  }
0x23: {  	_ =	swait.ge [sflag:s17], $0x80  }
0x24: {  	[sflag:s17] =	ssyncset.done $0x0  }
0x25: {  	[sflag:s17] =	ssyncadd.s32 $0xFFFFFF80  }
0x26: {  	s21 =	simm.s32 $0x1;
	s30 =	sand.u32 $0x1, s3;
	_ =	swait.ge [sflag:s17], $0x4000  }
0x27: {  	p1 =	sne.s32 s10, $0x1;
	s22 =	sand.u32 $0x1, s21;
	[sflag:s17] =	ssyncset.done $0x0  }
0x28: {  	s23 =	sshll.u32 s22, $0xE;
	s24 =	sshll.u32 s22, $0x7;
	[sflag:s17] =	ssyncadd.s32 $0xFFFFC000  }
0x29: {  	[tilespmem:s24], [sflag:$0x1] =	stream.linear.gather [hbm4b:s12+s3], $0x80, $0x38;
	[tilespmem:$0x1B980] =	vst v63  }
.Ltmp0:
0x2a: {  	s31 =	sshll.u32 s30, $0xE;
	s25 =	sor.u32 $0x100, s23;
	(pc) =	sbr.rel @!p1 .LBB2_3-.Ltmp0, $4  }
0x2b: {  	[tilespmem:s25], [sflag:$0x1] =	stream.linear.gather [hbm4b:s11+s3], $0x4000, $0x38;
	[tilespmem:$0x1B980] =	vst v63  }
0x2c: {  	s22 =	sshll.u32 s30, $0x7;
	s23 =	sor.u32 $0x100, s31  }
0x2d: {  	[spmem:s2] =	stream.indirect.scatter.add.f32 [tilespmem:s23], [sflag:$0x2], $0x80, s22, s18, $0xb8;
	[tilespmem:$0x1B980] =	vst v63  }
0x2e: {  	s22 =	sadd.s32 $0x10, s12;
	s23 =	smov.u32 s11;
	_ =	swait.ge [sflag:s14], $0x4000  }
.LBB2_2:
0x2f: {  	[sflag:s14] =	ssyncset.done $0x0  }
0x30: {  	s23 =	sadd.s32 $0x800, s23;
	s25 =	smov.u32 s21;
	s21 =	sadd.s32 $0x1, s21  }
0x31: {  	s24 =	sand.u32 $0x1, s21;
	p1 =	sne.s32 s10, s21;
	[sflag:s14] =	ssyncadd.s32 $0xFFFFC000  }
0x32: {  	_ =	swait.ge [sflag:s17], $0x80;
	s26 =	sshll.u32 s24, $0xE  }
0x33: {  	[sflag:s17] =	ssyncset.done $0x0  }
0x34: {  	[sflag:s17] =	ssyncadd.s32 $0xFFFFFF80  }
0x35: {  	_ =	swait.ge [sflag:s17], $0x4000  }
0x36: {  	[sflag:s17] =	ssyncset.done $0x0  }
0x37: {  	s24 =	sshll.u32 s24, $0x7;
	[sflag:s17] =	ssyncadd.s32 $0xFFFFC000  }
0x38: {  	[tilespmem:s24], [sflag:$0x1] =	stream.linear.gather [hbm4b:s22+s3], $0x80, $0x38;
	[tilespmem:$0x1B980] =	vst v63  }
0x39: {  	s28 =	sand.u32 $0x1, s25;
	s25 =	sor.u32 $0x100, s26  }
0x3a: {  	[tilespmem:s25], [sflag:$0x1] =	stream.linear.gather [hbm4b:s23+s3], $0x4000, $0x38;
	[tilespmem:$0x1B980] =	vst v63  }
.Ltmp1:
0x3b: {  	_ = 	snop;
	(pc) =	sbr.rel @p1 .LBB2_2-.Ltmp1, $4  }
0x3c: {  	s26 =	sshll.u32 s28, $0xE;
	s28 =	sshll.u32 s28, $0x7  }
0x3d: {  	s26 =	sor.u32 $0x100, s26  }
0x3e: {  	[spmem:s2] =	stream.indirect.scatter.add.f32 [tilespmem:s26], [sflag:$0x2], $0x80, s28, s18, $0xb8;
	[tilespmem:$0x1B980] =	vst v63  }
0x3f: {  	s22 =	sadd.s32 $0x10, s22;
	_ =	swait.ge [sflag:s14], $0x4000  }
.LBB2_3:
0x40: {  	[sflag:s14] =	ssyncset.done $0x0  }
0x41: {  	[sflag:s14] =	ssyncadd.s32 $0xFFFFC000  }
0x42: {  	_ =	swait.ge [sflag:s17], $0x80  }
0x43: {  	[sflag:s17] =	ssyncset.done $0x0  }
0x44: {  	[sflag:s17] =	ssyncadd.s32 $0xFFFFFF80  }
0x45: {  	_ =	swait.ge [sflag:s17], $0x4000  }
0x46: {  	[sflag:s17] =	ssyncset.done $0x0  }
0x47: {  	[sflag:s17] =	ssyncadd.s32 $0xFFFFC000  }
0x48: {  	[spmem:s2] =	stream.indirect.scatter.add.f32 [tilespmem:s25], [sflag:$0x2], $0x80, s24, s18, $0xb8;
	[tilespmem:$0x1B980] =	vst v63  }
0x49: {  	_ =	swait.ge [sflag:s14], $0x4000  }
0x4a: {  	[sflag:s14] =	ssyncset.done $0x0  }
0x4b: {  	[sflag:s14] =	ssyncadd.s32 $0xFFFFC000  }
0x4c: {  	[bflag:$0x0] =	sbarrier.arrive $0xFFFF  }
0x4d: {  	[hbm:s7], [sflag:s4] =	dma.local [spmem:s13], $0x2700  }
0x4e: {  	s19 =	sadd.s32 $0x1, s19;
	_ =	swait.ge [sflag:s14], $0x2700  }
0x4f: {  	p1 =	sne.s32 s19, s9;
	[sflag:s14] =	ssyncset.done $0x0  }
.Ltmp2:
0x50: {  	[sflag:s14] =	ssyncadd.s32 $0xFFFFD900;
	(pc) =	sbr.rel @p1 .LBB2_1-.Ltmp2, $4  }
0x51: {  	[hbm:s8], [sflag:s4] =	dma.local @!p0 [spmem:s15], $0x100  }
0x52: {  	_ =	swait.ge @!p0 [sflag:s20], $0x100  }
0x53: {  	[sflag:s20] =	ssyncset.done @!p0 $0x0  }
0x54: {  	[sflag:s20] =	ssyncadd.s32 @!p0 $0xFFFFFF00  }
0x55: {  	_ =	sfence.sel $0x180000  }
0x56: {  	[bflag:$0x0] =	sbarrier.arrive $0xFFFF  }
0x57: {  	_ =	strace $0x9000004D  }
0x58: {  	s0 =	sadd.s32 @!p0 $0x100000, s0;
	[bflag:$0x2] =	sbarrier.arrive $0xFFFF  }
0x59: {  	[sflag:s0] =	ssyncadd.tile.s32 @!p0 $0x1;
	_ =	shalt  }
.Lfunc_end2:
_tile_overlayer_lowered:
.L_overlay_start_2:
0x5a: {  	(tag) =	ssettag $0x2  }
0x5b: {  	s0 =	rddreg [dreg:$0x0];
	s2 =	stileid.u32  }
0x5c: {  	s1 =	rddreg [dreg:$0x1];
	p0 =	sne.s32 s2, $0x0  }
0x5d: {  	s3 =	rddreg [dreg:$0x2];
	[bflag:$0x3] =	sbarrier.arrive $0xFFFF;
	s2 =	simm.s32 @!p0 $0x1C02  }
0x5e: {  	[timem:s3], [sflag:s2] =	dma.local @!p0 [hbm:s0], s1  }
0x5f: {  	s0 =	simm.s32 @!p0 $0x2  }
0x60: {  	_ =	swait.ge @!p0 [sflag:s0], s1  }
0x61: {  	s1 =	ssub.s32 @!p0 $0x0, s1;
	[sflag:s0] =	ssyncset.done @!p0 $0x0  }
0x62: {  	[sflag:s0] =	ssyncadd.s32 @!p0 s1  }
0x63: {  	[bflag:$0x3] =	sbarrier.arrive $0xFFFF  }
0x64: {  	_ =	shalt  }

// kernel: kernel.8.cloned.1.call-start
scs
__scs_entry_jumppad:
0x0: {  	(pc) =	sbr.rel $0x88, $3  }
0x1: {  	(tag) =	ssettag $0x0;
	lr =	simm.s32 $0x1  }
0x2: {  	[smem:$0x3F7F] =	sst lr;
	_ =	strace $0xD0000000  }
0x3: {  	_ = 	snop  }
0x4: {  	_ = 	snop  }
0x5: {  	_ = 	snop  }
0x6: {  	_ = 	snop  }
0x7: {  	_ = 	snop  }
__scs_overlays_trampoline_lowered:
0x8: {  	[smem:$0x3F8E] =	sst s0  }
0x9: {  	[smem:$0x3F8F] =	sst s1  }
0xa: {  	[smem:$0x3F90] =	sst s2  }
0xb: {  	[smem:$0x3F91] =	sst s3  }
0xc: {  	[smem:$0x3F92] =	sst s4  }
0xd: {  	[smem:$0x3F93] =	sst s5  }
0xe: {  	[smem:$0x3F94] =	sst s6  }
0xf: {  	[smem:$0x3F95] =	sst s7  }
0x10: {  	[smem:$0x3F96] =	sst s8  }
0x11: {  	[smem:$0x3F97] =	sst s9;
	s0 =	simm.s32 @!p0 $0x0  }
0x12: {  	s1 =	sld [smem:$0x3F7D];
	s0 =	simm.s32 @p0 $0x1  }
0x13: {  	[smem:$0x3F98] =	sst s0;
	s0 =	simm.s32 @!p1 $0x0  }
0x14: {  	s2 =	sld [smem:$0x3F7C];
	s0 =	simm.s32 @p1 $0x1  }
0x15: {  	[smem:$0x3F99] =	sst s0;
	s0 =	simm.s32 @!p2 $0x0  }
0x16: {  	s3 =	sld [smem:$0x3FDB];
	s0 =	simm.s32 @p2 $0x1  }
0x17: {  	s4 =	simm.s32 $0x1BF5;
	[smem:$0x3F9B] =	sst s0  }
0x18: {  	s0 =	sld [smem:$0x3F7E];
	_ =	swait.ge [sflag:s4], $0x0  }
0x19: {  	s7 =	sld [smem:$0x3F7F]  }
0x1a: {  	s8 =	sadd.s32 $0xFFFFE003, lr  }
0x1b: {  	s9 =	sadd.s32 $0xFFFFFEF7, lr;
	s5 =	simm.s32 $0xFFFFFFFF;
	p2 =	slt.u32 s8, $0xFFFFF086  }
0x1c: {  	p1 =	slt.u32 s9, $0xF7A;
	s5 =	simm.s32 @!p2 $0x0  }
0x1d: {  	s5 =	simm.s32 @p1 $0x1;
	p0 =	seq.s32 s7, s2  }
0x1e: {  	s7 =	smul.u32 @!p0 $0xF7A, s2;
	p2 =	seq.s32 @!p0 s5, $0x0  }
0x1f: {  	s9 =	smul.u32 $0xF7A, s1;
	s8 =	simm.s32 @!p0 $0x1BF5;
	p2 =	por !p2, p0  }
0x20: {  	[sflag:s8] =	ssyncset.s32 @!p0 $0xFFFFF086;
	s6 =	sadd.s32 @!p0 s3, s7;
	s7 =	simm.s32 @!p0 $0x108  }
0x21: {  	s3 =	sadd.s32 s3, s9;
	s6 =	sadd.s32 @!p0 $0x88, s6;
	s7 =	simm.s32 @p2 $0x1082  }
0x22: {  	[simem:s7], [sflag:s8] =	dma.local @!p0 [hbm:s6], $0xF7A  }
0x23: {  	s9 =	sor.u32 $0xD0000000, s2;
	s6 =	simm.s32 $0x108;
	_ =	swait.ge @!p0 [sflag:s8], $0x0  }
0x24: {  	s3 =	sadd.s32 $0x88, s3;
	s6 =	simm.s32 @!p1 $0x1082;
	[sflag:s4] =	ssyncset.s32 $0xFFFFF086  }
0x25: {  	[simem:s6], [sflag:s4] =	dma.local [hbm:s3], $0xF7A  }
0x26: {  	[smem:$0x3F7F] =	sst s1;
	(tag) =	ssettag s2;
	_ =	strace s9  }
0x27: {  	s1 =	sld [smem:$0x3F8F]  }
0x28: {  	s2 =	sld [smem:$0x3F90]  }
0x29: {  	s4 =	sld [smem:$0x3F92]  }
0x2a: {  	p0 =	seq.s32 s5, $0x0;
	s5 =	sld [smem:$0x3F93]  }
0x2b: {  	s6 =	sld [smem:$0x3F94]  }
0x2c: {  	s7 =	sld [smem:$0x3F95]  }
0x2d: {  	s3 =	simm.s32 $0x108;
	s8 =	sld [smem:$0x3F96]  }
0x2e: {  	s3 =	simm.s32 @!p0 $0x1082;
	s9 =	sld [smem:$0x3F97]  }
0x2f: {  	lr =	sadd.s32 s0, s3;
	s0 =	sld [smem:$0x3F8E]  }
0x30: {  	s3 =	sld [smem:$0x3F91]  }
0x31: {  	[smem:$0x3F9A] =	sst s10  }
0x32: {  	s10 =	sld [smem:$0x3F98];
	_ =	sdelay $0x3  }
0x33: {  	p0 =	seq.s32 s10, $0x1;
	s10 =	sld [smem:$0x3F9A];
	_ =	sdelay $0x3  }
0x34: {  	[smem:$0x3F9A] =	sst s10  }
0x35: {  	s10 =	sld [smem:$0x3F99];
	_ =	sdelay $0x3  }
0x36: {  	p1 =	seq.s32 s10, $0x1;
	s10 =	sld [smem:$0x3F9A];
	_ =	sdelay $0x3  }
0x37: {  	[smem:$0x3F9A] =	sst s10  }
0x38: {  	s10 =	sld [smem:$0x3F9B]  }
0x39: {  	_ = 	snop;
	(pc) =	sbr.ind lr, $3  }
0x3a: {  	_ = 	snop  }
0x3b: {  	_ = 	snop  }
0x3c: {  	p2 =	seq.s32 s10, $0x1;
	s10 =	sld [smem:$0x3F9A]  }
0x3d: {  	_ =	shalt  }
0x3e: {  	_ =	shalt  }
0x3f: {  	_ =	shalt  }
0x40: {  	_ =	shalt  }
0x41: {  	_ =	shalt  }
0x42: {  	_ =	shalt  }
0x43: {  	_ =	shalt  }
0x44: {  	_ =	shalt  }
0x45: {  	_ =	shalt  }
0x46: {  	_ =	shalt  }
0x47: {  	_ =	shalt  }
0x48: {  	_ =	shalt  }
0x49: {  	_ =	shalt  }
0x4a: {  	_ =	shalt  }
0x4b: {  	_ =	shalt  }
0x4c: {  	_ =	shalt  }
0x4d: {  	_ =	shalt  }
0x4e: {  	_ =	shalt  }
0x4f: {  	_ =	shalt  }
0x50: {  	_ =	shalt  }
0x51: {  	_ =	shalt  }
0x52: {  	_ =	shalt  }
0x53: {  	_ =	shalt  }
0x54: {  	_ =	shalt  }
0x55: {  	_ =	shalt  }
0x56: {  	_ =	shalt  }
0x57: {  	_ =	shalt  }
0x58: {  	_ =	shalt  }
0x59: {  	_ =	shalt  }
0x5a: {  	_ =	shalt  }
0x5b: {  	_ =	shalt  }
0x5c: {  	_ =	shalt  }
0x5d: {  	_ =	shalt  }
0x5e: {  	_ =	shalt  }
0x5f: {  	_ =	shalt  }
0x60: {  	_ =	shalt  }
0x61: {  	_ =	shalt  }
0x62: {  	_ =	shalt  }
0x63: {  	_ =	shalt  }
0x64: {  	_ =	shalt  }
0x65: {  	_ =	shalt  }
0x66: {  	_ =	shalt  }
0x67: {  	_ =	shalt  }
0x68: {  	_ =	shalt  }
0x69: {  	_ =	shalt  }
0x6a: {  	_ =	shalt  }
0x6b: {  	_ =	shalt  }
0x6c: {  	_ =	shalt  }
0x6d: {  	_ =	shalt  }
0x6e: {  	_ =	shalt  }
0x6f: {  	_ =	shalt  }
0x70: {  	_ =	shalt  }
0x71: {  	_ =	shalt  }
0x72: {  	_ =	shalt  }
0x73: {  	_ =	shalt  }
0x74: {  	_ =	shalt  }
0x75: {  	_ =	shalt  }
0x76: {  	_ =	shalt  }
0x77: {  	_ =	shalt  }
0x78: {  	_ =	shalt  }
0x79: {  	_ =	shalt  }
0x7a: {  	_ =	shalt  }
0x7b: {  	_ =	shalt  }
0x7c: {  	_ =	shalt  }
0x7d: {  	_ =	shalt  }
0x7e: {  	_ =	shalt  }
0x7f: {  	_ =	shalt  }
0x80: {  	_ =	shalt  }
0x81: {  	_ =	shalt  }
0x82: {  	_ =	shalt  }
0x83: {  	_ =	shalt  }
0x84: {  	_ =	shalt  }
0x85: {  	_ =	shalt  }
0x86: {  	_ =	shalt  }
0x87: {  	_ =	shalt  }
.Lfunc_end0:
.L_simem_size_0:
called_computation_lowered:
.L_overlay_start_0:
0x88: {  	s2 =	sld [smem:$0x3FD9]  }
0x89: {  	s3 =	sld [smem:$0x3FFE];
	_ =	sdelay $0x1  }
0x8a: {  	s1 =	srdreg.scid  }
0x8b: {  	s0 =	sand.u32 $0x1, s1  }
0x8c: {  	s15 =	sshll.u32 s0, $0xA;
	s2 =	sadd.s32 s3, s2  }
0x8d: {  	s2 =	sadd.s32 s2, s15  }
0x8e: {  	[smem:$0x3FA6] =	sst s2  }
0x8f: {  	_ = 	snop  }
0x90: {  	s2 =	sld [smem:$0x3FD0];
	_ =	sdelay $0x1  }
0x91: {  	s16 =	sld [smem:$0x3FC7]  }
0x92: {  	s5 =	simm.s32 $0xB;
	s6 =	simm.s32 $0x10;
	s4 =	sld [smem:$0x3FC6]  }
0x93: {  	[smem:s6], [sflag:s5] =	dma.local [hbm:s2], $0x1  }
0x94: {  	_ =	swait.eq [sflag:s5], $0x1  }
0x95: {  	[sflag:s5] =	ssyncset.done $0x0  }
0x96: {  	[sflag:s5] =	ssyncadd.s32 $0xFFFFFFFF  }
0x97: {  	s17 =	sld [smem:$0x10];
	(tm) =	ssettm $0x1  }
0x98: {  	s18 =	sld [smem:$0x3FFB];
	_ =	sdelay $0x3  }
0x99: {  	_ =	strace s18  }
0x9a: {  	s2 =	sld [smem:$0x3FFC];
	_ =	sdelay $0x3  }
0x9b: {  	_ =	strace s2  }
0x9c: {  	s2 =	sld [smem:$0x3FFD];
	_ =	sdelay $0x3  }
0x9d: {  	_ =	strace s2  }
0x9e: {  	_ =	strace $0x8FFFFFFF  }
0x9f: {  	s19 =	sld [smem:$0x3FDB];
	_ =	sdelay $0x1  }
0xa0: {  	s20 =	simm.s32 $_scs_section_size  }
0xa1: {  	s7 =	simm.s32 $_size__tile_overlayer_lowered;
	s8 =	simm.s32 $_tile_overlayer_lowered  }
0xa2: {  	s9 =	simm.s32 $0x1BFF;
	s21 =	sshll.u32 s8, $0x1;
	s6 =	sadd.s32 s20, s19  }
0xa3: {  	s22 =	simm.s32 $0x0;
	s7 =	sshll.u32 s7, $0x1;
	s8 =	sadd.s32 s21, s6  }
0xa4: {  	[timem:s22], [sflag:s9] =	dma.local [hbm:s8], s7  }
0xa5: {  	_ =	swait.ge [sflag:s9], s7  }
0xa6: {  	s7 =	ssub.s32 $0x0, s7;
	[sflag:s9] =	ssyncset.done $0x0  }
0xa7: {  	[sflag:s9] =	ssyncadd.s32 s7;
	_ =	sdelay $0x1  }
0xa8: {  	s23 =	simm.s32 $0x1B8B  }
0xa9: {  	_ =	swait.ge [sflag:s23], $0x1  }
0xaa: {  	[sflag:s23] =	ssyncset.done $0x0  }
0xab: {  	[sflag:s23] =	ssyncadd.s32 $0xFFFFFFFF  }
0xac: {  	s7 =	sld [smem:$0x0]  }
0xad: {  	s8 =	sand.u32 $0xFFFFFFFE, s1  }
0xae: {  	p0 =	sne.s32 s1, s8  }
0xaf: {  	s8 =	sshll.u32 @p0 s8, $0xE  }
0xb0: {  	s8 =	sadd.s32 @p0 $0x11B8D, s8;
	s9 =	sshll.u32 @p0 s7, $0x11  }
0xb1: {  	s8 =	sor.u32 @p0 s9, s8  }
0xb2: {  	[sflag:s8] =	ssyncadd.remote.s32 @p0 $0x1;
	_ =	sdelay $0x1  }
0xb3: {  	s8 =	simm.s32 @p0 $0x1B8D  }
0xb4: {  	_ =	swait.eq @p0 [sflag:s8], $0x1  }
0xb5: {  	[sflag:s8] =	ssyncadd.s32 @p0 $0xFFFFFFFF  }
0xb6: {  	s9 =	sshll.u32 @!p0 s1, $0xE  }
0xb7: {  	s9 =	sor.u32 @!p0 $0x4000, s9;
	s8 =	simm.s32 @!p0 $0x1B8D  }
0xb8: {  	s7 =	sshll.u32 @!p0 s7, $0x11;
	s9 =	sadd.s32 @!p0 $0x11B8D, s9;
	_ =	swait.eq @!p0 [sflag:s8], $0x1  }
0xb9: {  	s7 =	sor.u32 @!p0 s7, s9;
	[sflag:s8] =	ssyncadd.s32 @!p0 $0xFFFFFFFF  }
0xba: {  	s25 =	simm.s32 $0x1B8E;
	s24 =	sld [smem:$0x3FFE];
	[sflag:s7] =	ssyncadd.remote.s32 @!p0 $0x1  }
0xbb: {  	s26 =	simm.s32 $execute0_lowered;
	[smem:$0x3FD2] =	sst s25  }
0xbc: {  	s8 =	sshll.u32 s26, $0x1;
	_ =	strace $0x80000049;
	[dreg:$0x1] =	wrdreg $0xFFFFFFFF  }
0xbd: {  	s28 =	simm.s32 $_size_execute0_lowered;
	s6 =	sadd.s32 s6, s8;
	[dreg:$0x0] =	wrdreg $0x0  }
0xbe: {  	s8 =	sshll.u32 s28, $0x1;
	[dreg:$0x2] =	wrdreg s6  }
0xbf: {  	[dreg:$0x3] =	wrdreg s8  }
0xc0: {  	[dreg:$0x4] =	wrdreg $0xC0  }
0xc1: {  	_ =	task [dreg:s22], $0x5FFFF  }
0xc2: {  	[dreg:$0x1] =	wrdreg $0xFFFFFFFF  }
0xc3: {  	[dreg:$0x0] =	wrdreg $0x60  }
0xc4: {  	[dreg:$0x2] =	wrdreg s16  }
0xc5: {  	[dreg:$0x3] =	wrdreg s4  }
0xc6: {  	[dreg:$0x4] =	wrdreg s17  }
0xc7: {  	[dreg:$0x5] =	wrdreg s24  }
0xc8: {  	[dreg:$0x6] =	wrdreg $0x81000  }
0xc9: {  	[dreg:$0x7] =	wrdreg $0x9  }
0xca: {  	_ =	task.clear_ibuf [dreg:s22], $0x8FFFF;
	_ =	strace $0x90000049  }
0xcb: {  	s29 =	simm.s32 $0x9;
	_ =	strace $0x8000004B  }
0xcc: {  	_ =	swait.ge [sflag:s29], $0x1  }
0xcd: {  	[sflag:s29] =	ssyncadd.s32 $0xFFFFFFFF  }
0xce: {  	_ =	strace $0x9000004B  }
0xcf: {  	_ =	sfence  }
0xd0: {  	s30 =	sld [smem:$0x0];
	_ =	sdelay $0x2  }
0xd1: {  	s31 =	sshll.u32 s1, $0xD;
	s1 =	sshrl.u32 s1, $0x2  }
0xd2: {  	s4 =	sand.u32 $0x4000, s31;
	s1 =	sadd.s32 s1, s30  }
0xd3: {  	s0 =	sor.u32 s4, s0;
	s1 =	sshll.u32 s1, $0x11  }
0xd4: {  	s0 =	sor.u32 s1, s0  }
0xd5: {  	s0 =	sadd.s32 $0x8F2B, s0  }
0xd6: {  	[sflag:s0] =	ssyncadd.remote.s32 $0x1  }
0xd7: {  	_ =	sfence.sel $0xFFFF  }
0xd8: {  	[dreg:$0x0] =	wrdreg $0xFFFFFFFF;
	(pc) =	sbr.abs _section_cstart, $3  }
0xd9: {  	[dreg:$0x1] =	wrdreg $0xFFFFFFFF  }
0xda: {  	_ =	task.clear_ibuf [dreg:s22], $0x2FFFF;
	_ =	strace $0x9FFFFFFF  }
0xdb: {  	(tm) =	ssettm $0x7FFFFFFF  }
tec
execute0_lowered:
.L_overlay_start_1:
0x0: {  	(tag) =	ssettag $0x1  }
0x1: {  	s11 =	rddreg [dreg:$0x0]  }
0x2: {  	s12 =	rddreg [dreg:$0x1]  }
0x3: {  	s1 =	rddreg [dreg:$0x2]  }
0x4: {  	s4 =	rddreg [dreg:$0x3]  }
0x5: {  	s2 =	rddreg [dreg:$0x4]  }
0x6: {  	s0 =	rddreg [dreg:$0x5];
	s5 =	srdreg.scid  }
0x7: {  	s13 =	stileid.u32;
	s3 =	simm.s32 $0x0;
	s19 =	simm.s32 $0x0  }
0x8: {  	s5 =	sand.u32 $0x1, s5;
	s6 =	sshll.u32 s13, $0x1;
	[smem:$0x7FF] =	sst s3  }
0x9: {  	s7 =	smul.u32 $0x4E000, s13;
	s9 =	sadd.s32 $0x4E7000, s4;
	p0 =	slt.u32 s13, $0x2  }
0xa: {  	s29 =	sshll.u32 s13, $0x6;
	s31 =	smul.u32 $0x13800, s13;
	s16 =	sadd.s32 $0x138000, s2  }
0xb: {  	s6 =	sor.u32 s5, s6;
	_ =	strace $0x8000004A;
	s28 =	smul.u32 $0x138800, s5  }
0xc: {  	s25 =	ssub.s32 $0x2, s5;
	s4 =	sor.u32 $0x1C02, s29;
	s8 =	smul.u32 $0x4E, s6  }
0xd: {  	s6 =	smul.u32 $0x4F, s6;
	s10 =	sshrl.u32 s25, $0x1;
	s26 =	sshrl.u32 s7, $0x2  }
0xe: {  	s10 =	ssub.s32 s25, s10;
	s7 =	sadd.s32 s31, s28;
	s8 =	sadd.s32 $0x4, s8  }
0xf: {  	s7 =	sshrl.u32 s7, $0x3;
	s8 =	smov.u32 @p0 s6;
	s6 =	sshrl.u32 s28, $0x3  }
0x10: {  	s7 =	sadd.s32 s9, s7;
	s15 =	sshll.u32 s8, $0x4;
	s17 =	sshll.u32 s8, $0xB  }
0x11: {  	s18 =	sadd.s32 s9, s6;
	s9 =	smax.u32 s10, $0x1;
	s10 =	simm.s32 $0x4E  }
0x12: {  	s14 =	sadd.s32 s26, s2;
	s30 =	sand.u32 $0x1FFFFFF0, s15;
	s8 =	sand.u32 $0x1FFFF800, s17  }
0x13: {  	s10 =	simm.s32 @!p0 $0x4D;
	p0 =	sne.s32 s13, $0x0;
	s13 =	sshrl.u32 s14, $0x3  }
0x14: {  	s14 =	simm.s32 $0x2;
	s5 =	sadd.s32 s12, s30;
	s6 =	sadd.s32 s11, s8  }
0x15: {  	s8 =	sadd.s32 $0x27000, s18;
	s11 =	sadd.s32 s17, s11;
	s12 =	sadd.s32 s15, s12  }
0x16: {  	s15 =	sshrl.u32 @!p0 s16, $0x3;
	s16 =	simm.s32 $0x100;
	s17 =	simm.s32 $0x1  }
0x17: {  	s18 =	simm.s32 $0x80;
	s11 =	sadd.s32 $0x800, s11;
	s12 =	sadd.s32 $0x10, s12  }
.LBB2_1:
0x18: {  	[spmem:s13], [sflag:s4] =	dma.local [hbm:s1], $0x2700  }
0x19: {  	_ =	swait.ge [sflag:s14], $0x2700  }
0x1a: {  	[sflag:s14] =	ssyncset.done $0x0  }
0x1b: {  	s20 =	simm.s32 @!p0 $0x2;
	[sflag:s14] =	ssyncadd.s32 $0xFFFFD900  }
0x1c: {  	[spmem:s15], [sflag:s4] =	dma.local @!p0 [hbm:s1], $0x100  }
0x1d: {  	_ =	swait.ge @!p0 [sflag:s20], $0x100  }
0x1e: {  	[sflag:s20] =	ssyncset.done @!p0 $0x0  }
0x1f: {  	[sflag:s20] =	ssyncadd.s32 @!p0 $0xFFFFFF00  }
0x20: {  	[bflag:$0x0] =	sbarrier.arrive $0xFFFF  }
0x21: {  	[tilespmem:s3], [sflag:$0x1] =	stream.linear.gather [hbm4b:s5+s3], $0x80, $0x38;
	[tilespmem:$0x1B980] =	vst v63  }
0x22: {  	_ = 	snop  }
0x23: {  	[tilespmem:s16], [sflag:$0x1] =	stream.linear.gather [hbm4b:s6+s3], $0x4000, $0x38;
	[tilespmem:$0x1B980] =	vst v63  }
0x24: {  	_ =	swait.ge [sflag:s17], $0x80  }
0x25: {  	[sflag:s17] =	ssyncset.done $0x0  }
0x26: {  	[sflag:s17] =	ssyncadd.s32 $0xFFFFFF80  }
0x27: {  	s21 =	simm.s32 $0x1;
	s30 =	sand.u32 $0x1, s3;
	_ =	swait.ge [sflag:s17], $0x4000  }
0x28: {  	p1 =	sne.s32 s10, $0x1;
	s22 =	sand.u32 $0x1, s21;
	[sflag:s17] =	ssyncset.done $0x0  }
0x29: {  	s23 =	sshll.u32 s22, $0xE;
	s24 =	sshll.u32 s22, $0x7;
	[sflag:s17] =	ssyncadd.s32 $0xFFFFC000  }
0x2a: {  	[tilespmem:s24], [sflag:$0x1] =	stream.linear.gather [hbm4b:s12+s3], $0x80, $0x38;
	[tilespmem:$0x1B980] =	vst v63  }
.Ltmp0:
0x2b: {  	s31 =	sshll.u32 s30, $0xE;
	s25 =	sor.u32 $0x100, s23;
	(pc) =	sbr.rel @!p1 .LBB2_3-.Ltmp0, $4  }
0x2c: {  	[tilespmem:s25], [sflag:$0x1] =	stream.linear.gather [hbm4b:s11+s3], $0x4000, $0x38;
	[tilespmem:$0x1B980] =	vst v63  }
0x2d: {  	s22 =	sshll.u32 s30, $0x7;
	s23 =	sor.u32 $0x100, s31  }
0x2e: {  	[spmem:s2] =	stream.indirect.scatter.add.f32 [tilespmem:s23], [sflag:$0x2], $0x80, s22, s18, $0xb8;
	[tilespmem:$0x1B980] =	vst v63  }
0x2f: {  	s22 =	sadd.s32 $0x10, s12;
	s23 =	smov.u32 s11;
	_ =	swait.ge [sflag:s14], $0x4000  }
.LBB2_2:
0x30: {  	[sflag:s14] =	ssyncset.done $0x0  }
0x31: {  	s23 =	sadd.s32 $0x800, s23;
	s25 =	smov.u32 s21;
	s21 =	sadd.s32 $0x1, s21  }
0x32: {  	s24 =	sand.u32 $0x1, s21;
	p1 =	sne.s32 s10, s21;
	[sflag:s14] =	ssyncadd.s32 $0xFFFFC000  }
0x33: {  	_ =	swait.ge [sflag:s17], $0x80;
	s26 =	sshll.u32 s24, $0xE  }
0x34: {  	[sflag:s17] =	ssyncset.done $0x0  }
0x35: {  	[sflag:s17] =	ssyncadd.s32 $0xFFFFFF80  }
0x36: {  	_ =	swait.ge [sflag:s17], $0x4000  }
0x37: {  	[sflag:s17] =	ssyncset.done $0x0  }
0x38: {  	s24 =	sshll.u32 s24, $0x7;
	[sflag:s17] =	ssyncadd.s32 $0xFFFFC000  }
0x39: {  	[tilespmem:s24], [sflag:$0x1] =	stream.linear.gather [hbm4b:s22+s3], $0x80, $0x38;
	[tilespmem:$0x1B980] =	vst v63  }
0x3a: {  	s28 =	sand.u32 $0x1, s25;
	s25 =	sor.u32 $0x100, s26  }
0x3b: {  	[tilespmem:s25], [sflag:$0x1] =	stream.linear.gather [hbm4b:s23+s3], $0x4000, $0x38;
	[tilespmem:$0x1B980] =	vst v63  }
.Ltmp1:
0x3c: {  	_ = 	snop;
	(pc) =	sbr.rel @p1 .LBB2_2-.Ltmp1, $4  }
0x3d: {  	s26 =	sshll.u32 s28, $0xE;
	s28 =	sshll.u32 s28, $0x7  }
0x3e: {  	s26 =	sor.u32 $0x100, s26  }
0x3f: {  	[spmem:s2] =	stream.indirect.scatter.add.f32 [tilespmem:s26], [sflag:$0x2], $0x80, s28, s18, $0xb8;
	[tilespmem:$0x1B980] =	vst v63  }
0x40: {  	s22 =	sadd.s32 $0x10, s22;
	_ =	swait.ge [sflag:s14], $0x4000  }
.LBB2_3:
0x41: {  	[sflag:s14] =	ssyncset.done $0x0  }
0x42: {  	[sflag:s14] =	ssyncadd.s32 $0xFFFFC000  }
0x43: {  	_ =	swait.ge [sflag:s17], $0x80  }
0x44: {  	[sflag:s17] =	ssyncset.done $0x0  }
0x45: {  	[sflag:s17] =	ssyncadd.s32 $0xFFFFFF80  }
0x46: {  	_ =	swait.ge [sflag:s17], $0x4000  }
0x47: {  	[sflag:s17] =	ssyncset.done $0x0  }
0x48: {  	[sflag:s17] =	ssyncadd.s32 $0xFFFFC000  }
0x49: {  	[spmem:s2] =	stream.indirect.scatter.add.f32 [tilespmem:s25], [sflag:$0x2], $0x80, s24, s18, $0xb8;
	[tilespmem:$0x1B980] =	vst v63  }
0x4a: {  	_ =	swait.ge [sflag:s14], $0x4000  }
0x4b: {  	[sflag:s14] =	ssyncset.done $0x0  }
0x4c: {  	[sflag:s14] =	ssyncadd.s32 $0xFFFFC000  }
0x4d: {  	[bflag:$0x0] =	sbarrier.arrive $0xFFFF  }
0x4e: {  	[hbm:s7], [sflag:s4] =	dma.local [spmem:s13], $0x2700  }
0x4f: {  	s19 =	sadd.s32 $0x1, s19;
	_ =	swait.ge [sflag:s14], $0x2700  }
0x50: {  	p1 =	sne.s32 s19, s9;
	[sflag:s14] =	ssyncset.done $0x0  }
.Ltmp2:
0x51: {  	[sflag:s14] =	ssyncadd.s32 $0xFFFFD900;
	(pc) =	sbr.rel @p1 .LBB2_1-.Ltmp2, $4  }
0x52: {  	[hbm:s8], [sflag:s4] =	dma.local @!p0 [spmem:s15], $0x100  }
0x53: {  	_ =	swait.ge @!p0 [sflag:s20], $0x100  }
0x54: {  	[sflag:s20] =	ssyncset.done @!p0 $0x0  }
0x55: {  	[sflag:s20] =	ssyncadd.s32 @!p0 $0xFFFFFF00  }
0x56: {  	_ =	sfence.sel $0x180000  }
0x57: {  	[bflag:$0x0] =	sbarrier.arrive $0xFFFF  }
0x58: {  	_ =	strace $0x9000004A  }
0x59: {  	s0 =	sadd.s32 @!p0 $0x100000, s0;
	[bflag:$0x2] =	sbarrier.arrive $0xFFFF  }
0x5a: {  	[sflag:s0] =	ssyncadd.tile.s32 @!p0 $0x1;
	_ =	shalt  }
.Lfunc_end2:
_tile_overlayer_lowered:
.L_overlay_start_2:
0x5b: {  	(tag) =	ssettag $0x2  }
0x5c: {  	s0 =	rddreg [dreg:$0x0];
	s2 =	stileid.u32  }
0x5d: {  	s1 =	rddreg [dreg:$0x1];
	p0 =	sne.s32 s2, $0x0  }
0x5e: {  	s3 =	rddreg [dreg:$0x2];
	[bflag:$0x3] =	sbarrier.arrive $0xFFFF;
	s2 =	simm.s32 @!p0 $0x1C02  }
0x5f: {  	[timem:s3], [sflag:s2] =	dma.local @!p0 [hbm:s0], s1  }
0x60: {  	s0 =	simm.s32 @!p0 $0x2  }
0x61: {  	_ =	swait.ge @!p0 [sflag:s0], s1  }
0x62: {  	s1 =	ssub.s32 @!p0 $0x0, s1;
	[sflag:s0] =	ssyncset.done @!p0 $0x0  }
0x63: {  	[sflag:s0] =	ssyncadd.s32 @!p0 s1  }
0x64: {  	[bflag:$0x3] =	sbarrier.arrive $0xFFFF  }
0x65: {  	_ =	shalt  }

</sc_bundles>
